<compile_context>
chip_gen: v7x
topology: tpu7x:2x2x1
jax: 0.10.2.dev20260603
libtpu: 0.0.44.dev20260713+nightly
codegen_flags: <defaults>
</compile_context>

<pallas_src>
import functools

import jax
import jax.numpy as jnp
from jax import lax
from jax.experimental import pallas as pl
from jax.experimental.pallas import tpu as pltpu
from jax.experimental.pallas import tpu_sc as plsc

VOCAB = 1000000
EMBED_DIM = 64
BATCH = 16384
HIST = 50

try:
    _info = plsc.get_sparse_core_info()
    _NC, _NS = _info.num_cores, _info.num_subcores
except Exception:
    _NC, _NS = 2, 16

_NW = _NC * _NS
_B = BATCH * HIST
_CHUNK = 128
_PER_W = _B // _NW
_NCHUNK = _PER_W // _CHUNK
_NBUF = 8
_GLAG = 4
_NGRP = _NCHUNK // _NBUF

assert _PER_W * _NW == _B and _NGRP * _NBUF == _NCHUNK


def _make_gather():
    mesh = plsc.VectorSubcoreMesh(core_axis_name="c", subcore_axis_name="s")

    @functools.partial(
        pl.kernel,
        mesh=mesh,
        out_type=jax.ShapeDtypeStruct((_B, EMBED_DIM), jnp.float32),
        scratch_types=(
            [pltpu.VMEM((_NCHUNK, _CHUNK), jnp.int32)]
            + [pltpu.VMEM((_CHUNK, EMBED_DIM), jnp.float32)] * _NBUF
            + [pltpu.SemaphoreType.DMA] * (2 * _NBUF)
        ),
        compiler_params=pltpu.CompilerParams(use_tc_tiling_on_sc=False),
    )
    def gather_kernel(idx_hbm, table_hbm, out_hbm, idx_v, *scratch):
        rows = scratch[:_NBUF]
        gsem = scratch[_NBUF:2 * _NBUF]
        osem = scratch[2 * _NBUF:]

        wid = lax.axis_index("s") * _NC + lax.axis_index("c")
        base = wid * _PER_W
        pltpu.sync_copy(idx_hbm.at[wid], idx_v)

        def gather_issue(c, b):
            pltpu.async_copy(table_hbm.at[idx_v.at[c]], rows[b], gsem[b])

        def gather_wait(b):
            pltpu.make_async_copy(
                table_hbm.at[idx_v.at[0]], rows[b], gsem[b]).wait()

        def write_issue(c, b):
            pltpu.async_copy(
                rows[b], out_hbm.at[pl.ds(base + c * _CHUNK, _CHUNK)], osem[b])

        def write_wait(b):
            pltpu.make_async_copy(
                rows[b], out_hbm.at[pl.ds(base, _CHUNK)], osem[b]).wait()

        for s in range(_NBUF):
            gather_issue(s, s)
            if s >= _GLAG:
                gather_wait(s - _GLAG)
                write_issue(s - _GLAG, s - _GLAG)

        @pl.loop(1, _NGRP)
        def _group(t):
            s0 = t * _NBUF
            for j in range(_NBUF):
                write_wait(j)
                gather_issue(s0 + j, j)
                b = (j + _GLAG) % _NBUF
                gather_wait(b)
                write_issue(s0 + j - _GLAG, b)

        for j in range(_GLAG):
            b = (j + _GLAG) % _NBUF
            gather_wait(b)
            write_issue(_NCHUNK - _GLAG + j, b)
        for j in range(_NBUF):
            write_wait(j)

    return gather_kernel


_gather = _make_gather()


def kernel(nids, nfeats):
    idx = nids.reshape(_NW, _NCHUNK, _CHUNK).astype(jnp.int32)
    out = _gather(idx, nfeats)
    return out.reshape(BATCH, HIST, EMBED_DIM)

# --- scband reference (transcript-rebuilt; emitter-appended) ---
"""Pipeline reference for scband-numerical-feature-16999480558365 (READ-ONLY COPY).

The authoritative reference and input builder live on the scoring server;
editing this copy changes nothing except your own understanding.
"""

import jax, jax.numpy as jnp
import numpy as np

VOCAB = 1000000
EMBED_DIM = 64
BATCH = 16384
HIST = 50

def setup_inputs(seed: int = 0) -> dict:
    key = jax.random.key(seed)
    k1, k2 = jax.random.split(key)
    nids = jax.random.randint(k1, (BATCH, HIST), 0, VOCAB, dtype=jnp.int64)
    nfeats = jax.random.normal(k2, (VOCAB, EMBED_DIM), dtype=jnp.float32)
    return {"nids": nids, "nfeats": nfeats}

def reference(nids, nfeats):
    # NumericalFeature.get_node_embeddings with pin_mem=True, use_tsfm=False:
    # x = F.embedding(nids, self.nfeats)  ->  row gather from the feature table
    x = jnp.take(nfeats, nids, axis=0)
    return x

if __name__ == "__main__":
    import jax
    _d = setup_inputs()
    print(jax.jit(kernel)(*tuple(_d.values())))

</pallas_src>

<mosaic_0001>
#map = affine_map<(d0, d1) -> (0, 0, 0)>
#map1 = affine_map<(d0, d1) -> (0, 0)>
module attributes {stable_mosaic.version = 14 : i64} {
  func.func @gather_kernel(%arg0: i32, %arg1: i32, %arg2: memref<32x200x128xi32, #tpu.memory_space<hbm>>, %arg3: memref<1000000x64xf32, #tpu.memory_space<hbm>>, %arg4: memref<819200x64xf32, #tpu.memory_space<hbm>>, %arg5: memref<200x128xi32, #tpu.memory_space<vmem>>, %arg6: memref<128x64xf32, #tpu.memory_space<vmem>>, %arg7: memref<128x64xf32, #tpu.memory_space<vmem>>, %arg8: memref<128x64xf32, #tpu.memory_space<vmem>>, %arg9: memref<128x64xf32, #tpu.memory_space<vmem>>, %arg10: memref<128x64xf32, #tpu.memory_space<vmem>>, %arg11: memref<128x64xf32, #tpu.memory_space<vmem>>, %arg12: memref<128x64xf32, #tpu.memory_space<vmem>>, %arg13: memref<128x64xf32, #tpu.memory_space<vmem>>, %arg14: memref<!tpu.dma_semaphore, #tpu.memory_space<semaphore_mem>>, %arg15: memref<!tpu.dma_semaphore, #tpu.memory_space<semaphore_mem>>, %arg16: memref<!tpu.dma_semaphore, #tpu.memory_space<semaphore_mem>>, %arg17: memref<!tpu.dma_semaphore, #tpu.memory_space<semaphore_mem>>, %arg18: memref<!tpu.dma_semaphore, #tpu.memory_space<semaphore_mem>>, %arg19: memref<!tpu.dma_semaphore, #tpu.memory_space<semaphore_mem>>, %arg20: memref<!tpu.dma_semaphore, #tpu.memory_space<semaphore_mem>>, %arg21: memref<!tpu.dma_semaphore, #tpu.memory_space<semaphore_mem>>, %arg22: memref<!tpu.dma_semaphore, #tpu.memory_space<semaphore_mem>>, %arg23: memref<!tpu.dma_semaphore, #tpu.memory_space<semaphore_mem>>, %arg24: memref<!tpu.dma_semaphore, #tpu.memory_space<semaphore_mem>>, %arg25: memref<!tpu.dma_semaphore, #tpu.memory_space<semaphore_mem>>, %arg26: memref<!tpu.dma_semaphore, #tpu.memory_space<semaphore_mem>>, %arg27: memref<!tpu.dma_semaphore, #tpu.memory_space<semaphore_mem>>, %arg28: memref<!tpu.dma_semaphore, #tpu.memory_space<semaphore_mem>>, %arg29: memref<!tpu.dma_semaphore, #tpu.memory_space<semaphore_mem>>) attributes {dimension_semantics = [#tpu.dimension_semantics<core_parallel>, #tpu.dimension_semantics<subcore_parallel>], iteration_bounds = array<i64: 2, 16>, scalar_prefetch = 0 : i64, scratch_operands = 25 : i64, tpu.core_type = #tpu.core_type<sc_vector_subcore>, window_params = [{transform_indices = #map}, {transform_indices = #map1}, {transform_indices = #map1}]} {
    %mul3A = arith.constant 2 : i32
    %mul3A_0 = arith.muli %arg1, %mul3A : i32
    %add3A = arith.addi %mul3A_0, %arg0 : i32
    %mul3A_1 = arith.constant 25600 : i32
    %mul3A_2 = arith.muli %add3A, %mul3A_1 : i32
    "tpu.region"() ({
      %run_scoped3A = tpu.sem_alloc : memref<!tpu.dma_semaphore, #tpu.memory_space<semaphore_mem>>
      %dma_start3A_197 = arith.constant 0 : i32
      %dma_start3A_198 = arith.constant 0 : i32
      %dma_start3A_199 = tpu.memref_slice %arg2[%add3A, %dma_start3A_197, %dma_start3A_198] : memref<32x200x128xi32, #tpu.memory_space<hbm>> -> memref<1x200x128xi32, #tpu.memory_space<hbm>>
      %dma_start3A_200 = tpu.memref_squeeze %dma_start3A_199 : memref<1x200x128xi32, #tpu.memory_space<hbm>> -> memref<200x128xi32, #tpu.memory_space<hbm>>
      %dma_start3A_201 = arith.constant 0 : i32
      %dma_start3A_202 = arith.constant 0 : i32
      %dma_start3A_203 = tpu.memref_slice %arg2[%add3A, %dma_start3A_201, %dma_start3A_202] : memref<32x200x128xi32, #tpu.memory_space<hbm>> -> memref<1x200x128xi32, #tpu.memory_space<hbm>>
      %dma_start3A_204 = tpu.memref_squeeze %dma_start3A_203 : memref<1x200x128xi32, #tpu.memory_space<hbm>> -> memref<200x128xi32, #tpu.memory_space<hbm>>
      tpu.enqueue_dma source(%dma_start3A_204 : memref<200x128xi32, #tpu.memory_space<hbm>>) target(%arg5 : memref<200x128xi32, #tpu.memory_space<vmem>>) target_semaphore(%run_scoped3A : memref<!tpu.dma_semaphore, #tpu.memory_space<semaphore_mem>>)
      %dma_wait3A_205 = arith.constant 0 : i32
      %dma_wait3A_206 = arith.constant 0 : i32
      %dma_wait3A_207 = tpu.memref_slice %arg2[%add3A, %dma_wait3A_205, %dma_wait3A_206] : memref<32x200x128xi32, #tpu.memory_space<hbm>> -> memref<1x200x128xi32, #tpu.memory_space<hbm>>
      %dma_wait3A_208 = tpu.memref_squeeze %dma_wait3A_207 : memref<1x200x128xi32, #tpu.memory_space<hbm>> -> memref<200x128xi32, #tpu.memory_space<hbm>>
      %dma_wait3A_209 = arith.constant 0 : i32
      %dma_wait3A_210 = arith.constant 0 : i32
      %dma_wait3A_211 = tpu.memref_slice %arg2[%add3A, %dma_wait3A_209, %dma_wait3A_210] : memref<32x200x128xi32, #tpu.memory_space<hbm>> -> memref<1x200x128xi32, #tpu.memory_space<hbm>>
      %dma_wait3A_212 = tpu.memref_squeeze %dma_wait3A_211 : memref<1x200x128xi32, #tpu.memory_space<hbm>> -> memref<200x128xi32, #tpu.memory_space<hbm>>
      tpu.wait_dma2 semaphore(%run_scoped3A : memref<!tpu.dma_semaphore, #tpu.memory_space<semaphore_mem>>) src(%dma_wait3A_212 : memref<200x128xi32, #tpu.memory_space<hbm>>) dst(%arg5 : memref<200x128xi32, #tpu.memory_space<vmem>>)
      tpu.yield
    }) : () -> ()
    %dma_start3A = arith.constant 0 : i32
    %dma_start3A_3 = arith.constant 0 : i32
    %dma_start3A_4 = tpu.memref_slice %arg5[%dma_start3A, %dma_start3A_3] : memref<200x128xi32, #tpu.memory_space<vmem>> -> memref<1x128xi32, #tpu.memory_space<vmem>>
    %dma_start3A_5 = tpu.memref_squeeze %dma_start3A_4 : memref<1x128xi32, #tpu.memory_space<vmem>> -> memref<128xi32, #tpu.memory_space<vmem>>
    %dma_start3A_6 = arith.constant 0 : i32
    %dma_start3A_7 = arith.constant 0 : i32
    %dma_start3A_8 = tpu.memref_slice %arg3[%dma_start3A_6, %dma_start3A_7] : memref<1000000x64xf32, #tpu.memory_space<hbm>> -> memref<1000000x64xf32, #tpu.memory_space<hbm>>
    tpu.enqueue_indirect_dma source(%dma_start3A_8 : memref<1000000x64xf32, #tpu.memory_space<hbm>>) target(%arg6 : memref<128x64xf32, #tpu.memory_space<vmem>>) offsets(%dma_start3A_5 : memref<128xi32, #tpu.memory_space<vmem>>) semaphore(%arg14 : memref<!tpu.dma_semaphore, #tpu.memory_space<semaphore_mem>>)
    %dma_start3A_9 = arith.constant 1 : i32
    %dma_start3A_10 = arith.constant 0 : i32
    %dma_start3A_11 = tpu.memref_slice %arg5[%dma_start3A_9, %dma_start3A_10] : memref<200x128xi32, #tpu.memory_space<vmem>> -> memref<1x128xi32, #tpu.memory_space<vmem>>
    %dma_start3A_12 = tpu.memref_squeeze %dma_start3A_11 : memref<1x128xi32, #tpu.memory_space<vmem>> -> memref<128xi32, #tpu.memory_space<vmem>>
    %dma_start3A_13 = arith.constant 0 : i32
    %dma_start3A_14 = arith.constant 0 : i32
    %dma_start3A_15 = tpu.memref_slice %arg3[%dma_start3A_13, %dma_start3A_14] : memref<1000000x64xf32, #tpu.memory_space<hbm>> -> memref<1000000x64xf32, #tpu.memory_space<hbm>>
    tpu.enqueue_indirect_dma source(%dma_start3A_15 : memref<1000000x64xf32, #tpu.memory_space<hbm>>) target(%arg7 : memref<128x64xf32, #tpu.memory_space<vmem>>) offsets(%dma_start3A_12 : memref<128xi32, #tpu.memory_space<vmem>>) semaphore(%arg15 : memref<!tpu.dma_semaphore, #tpu.memory_space<semaphore_mem>>)
    %dma_start3A_16 = arith.constant 2 : i32
    %dma_start3A_17 = arith.constant 0 : i32
    %dma_start3A_18 = tpu.memref_slice %arg5[%dma_start3A_16, %dma_start3A_17] : memref<200x128xi32, #tpu.memory_space<vmem>> -> memref<1x128xi32, #tpu.memory_space<vmem>>
    %dma_start3A_19 = tpu.memref_squeeze %dma_start3A_18 : memref<1x128xi32, #tpu.memory_space<vmem>> -> memref<128xi32, #tpu.memory_space<vmem>>
    %dma_start3A_20 = arith.constant 0 : i32
    %dma_start3A_21 = arith.constant 0 : i32
    %dma_start3A_22 = tpu.memref_slice %arg3[%dma_start3A_20, %dma_start3A_21] : memref<1000000x64xf32, #tpu.memory_space<hbm>> -> memref<1000000x64xf32, #tpu.memory_space<hbm>>
    tpu.enqueue_indirect_dma source(%dma_start3A_22 : memref<1000000x64xf32, #tpu.memory_space<hbm>>) target(%arg8 : memref<128x64xf32, #tpu.memory_space<vmem>>) offsets(%dma_start3A_19 : memref<128xi32, #tpu.memory_space<vmem>>) semaphore(%arg16 : memref<!tpu.dma_semaphore, #tpu.memory_space<semaphore_mem>>)
    %dma_start3A_23 = arith.constant 3 : i32
    %dma_start3A_24 = arith.constant 0 : i32
    %dma_start3A_25 = tpu.memref_slice %arg5[%dma_start3A_23, %dma_start3A_24] : memref<200x128xi32, #tpu.memory_space<vmem>> -> memref<1x128xi32, #tpu.memory_space<vmem>>
    %dma_start3A_26 = tpu.memref_squeeze %dma_start3A_25 : memref<1x128xi32, #tpu.memory_space<vmem>> -> memref<128xi32, #tpu.memory_space<vmem>>
    %dma_start3A_27 = arith.constant 0 : i32
    %dma_start3A_28 = arith.constant 0 : i32
    %dma_start3A_29 = tpu.memref_slice %arg3[%dma_start3A_27, %dma_start3A_28] : memref<1000000x64xf32, #tpu.memory_space<hbm>> -> memref<1000000x64xf32, #tpu.memory_space<hbm>>
    tpu.enqueue_indirect_dma source(%dma_start3A_29 : memref<1000000x64xf32, #tpu.memory_space<hbm>>) target(%arg9 : memref<128x64xf32, #tpu.memory_space<vmem>>) offsets(%dma_start3A_26 : memref<128xi32, #tpu.memory_space<vmem>>) semaphore(%arg17 : memref<!tpu.dma_semaphore, #tpu.memory_space<semaphore_mem>>)
    %dma_start3A_30 = arith.constant 4 : i32
    %dma_start3A_31 = arith.constant 0 : i32
    %dma_start3A_32 = tpu.memref_slice %arg5[%dma_start3A_30, %dma_start3A_31] : memref<200x128xi32, #tpu.memory_space<vmem>> -> memref<1x128xi32, #tpu.memory_space<vmem>>
    %dma_start3A_33 = tpu.memref_squeeze %dma_start3A_32 : memref<1x128xi32, #tpu.memory_space<vmem>> -> memref<128xi32, #tpu.memory_space<vmem>>
    %dma_start3A_34 = arith.constant 0 : i32
    %dma_start3A_35 = arith.constant 0 : i32
    %dma_start3A_36 = tpu.memref_slice %arg3[%dma_start3A_34, %dma_start3A_35] : memref<1000000x64xf32, #tpu.memory_space<hbm>> -> memref<1000000x64xf32, #tpu.memory_space<hbm>>
    tpu.enqueue_indirect_dma source(%dma_start3A_36 : memref<1000000x64xf32, #tpu.memory_space<hbm>>) target(%arg10 : memref<128x64xf32, #tpu.memory_space<vmem>>) offsets(%dma_start3A_33 : memref<128xi32, #tpu.memory_space<vmem>>) semaphore(%arg18 : memref<!tpu.dma_semaphore, #tpu.memory_space<semaphore_mem>>)
    %dma_wait3A = arith.constant 0 : i32
    %dma_wait3A_37 = arith.constant 0 : i32
    %dma_wait3A_38 = tpu.memref_slice %arg5[%dma_wait3A, %dma_wait3A_37] : memref<200x128xi32, #tpu.memory_space<vmem>> -> memref<1x128xi32, #tpu.memory_space<vmem>>
    %dma_wait3A_39 = tpu.memref_squeeze %dma_wait3A_38 : memref<1x128xi32, #tpu.memory_space<vmem>> -> memref<128xi32, #tpu.memory_space<vmem>>
    %dma_wait3A_40 = arith.constant 0 : i32
    %dma_wait3A_41 = arith.constant 0 : i32
    %dma_wait3A_42 = tpu.memref_slice %arg3[%dma_wait3A_40, %dma_wait3A_41] : memref<1000000x64xf32, #tpu.memory_space<hbm>> -> memref<1000000x64xf32, #tpu.memory_space<hbm>>
    tpu.wait_indirect_dma semaphore(%arg14 : memref<!tpu.dma_semaphore, #tpu.memory_space<semaphore_mem>>) src(%dma_wait3A_42 : memref<1000000x64xf32, #tpu.memory_space<hbm>>) dst(%arg6 : memref<128x64xf32, #tpu.memory_space<vmem>>)
    %add3A_43 = arith.constant 0 : i32
    %add3A_44 = arith.addi %mul3A_2, %add3A_43 : i32
    %dma_start3A_45 = arith.constant 0 : i32
    %dma_start3A_46 = tpu.memref_slice %arg4[%add3A_44, %dma_start3A_45] : memref<819200x64xf32, #tpu.memory_space<hbm>> -> memref<128x64xf32, #tpu.memory_space<hbm>>
    %dma_start3A_47 = arith.constant 0 : i32
    %dma_start3A_48 = tpu.memref_slice %arg4[%add3A_44, %dma_start3A_47] : memref<819200x64xf32, #tpu.memory_space<hbm>> -> memref<128x64xf32, #tpu.memory_space<hbm>>
    tpu.enqueue_dma source(%arg6 : memref<128x64xf32, #tpu.memory_space<vmem>>) target(%dma_start3A_48 : memref<128x64xf32, #tpu.memory_space<hbm>>) target_semaphore(%arg22 : memref<!tpu.dma_semaphore, #tpu.memory_space<semaphore_mem>>)
    %dma_start3A_49 = arith.constant 5 : i32
    %dma_start3A_50 = arith.constant 0 : i32
    %dma_start3A_51 = tpu.memref_slice %arg5[%dma_start3A_49, %dma_start3A_50] : memref<200x128xi32, #tpu.memory_space<vmem>> -> memref<1x128xi32, #tpu.memory_space<vmem>>
    %dma_start3A_52 = tpu.memref_squeeze %dma_start3A_51 : memref<1x128xi32, #tpu.memory_space<vmem>> -> memref<128xi32, #tpu.memory_space<vmem>>
    %dma_start3A_53 = arith.constant 0 : i32
    %dma_start3A_54 = arith.constant 0 : i32
    %dma_start3A_55 = tpu.memref_slice %arg3[%dma_start3A_53, %dma_start3A_54] : memref<1000000x64xf32, #tpu.memory_space<hbm>> -> memref<1000000x64xf32, #tpu.memory_space<hbm>>
    tpu.enqueue_indirect_dma source(%dma_start3A_55 : memref<1000000x64xf32, #tpu.memory_space<hbm>>) target(%arg11 : memref<128x64xf32, #tpu.memory_space<vmem>>) offsets(%dma_start3A_52 : memref<128xi32, #tpu.memory_space<vmem>>) semaphore(%arg19 : memref<!tpu.dma_semaphore, #tpu.memory_space<semaphore_mem>>)
    %dma_wait3A_56 = arith.constant 0 : i32
    %dma_wait3A_57 = arith.constant 0 : i32
    %dma_wait3A_58 = tpu.memref_slice %arg5[%dma_wait3A_56, %dma_wait3A_57] : memref<200x128xi32, #tpu.memory_space<vmem>> -> memref<1x128xi32, #tpu.memory_space<vmem>>
    %dma_wait3A_59 = tpu.memref_squeeze %dma_wait3A_58 : memref<1x128xi32, #tpu.memory_space<vmem>> -> memref<128xi32, #tpu.memory_space<vmem>>
    %dma_wait3A_60 = arith.constant 0 : i32
    %dma_wait3A_61 = arith.constant 0 : i32
    %dma_wait3A_62 = tpu.memref_slice %arg3[%dma_wait3A_60, %dma_wait3A_61] : memref<1000000x64xf32, #tpu.memory_space<hbm>> -> memref<1000000x64xf32, #tpu.memory_space<hbm>>
    tpu.wait_indirect_dma semaphore(%arg15 : memref<!tpu.dma_semaphore, #tpu.memory_space<semaphore_mem>>) src(%dma_wait3A_62 : memref<1000000x64xf32, #tpu.memory_space<hbm>>) dst(%arg7 : memref<128x64xf32, #tpu.memory_space<vmem>>)
    %add3A_63 = arith.constant 128 : i32
    %add3A_64 = arith.addi %mul3A_2, %add3A_63 : i32
    %dma_start3A_65 = arith.constant 0 : i32
    %dma_start3A_66 = tpu.memref_slice %arg4[%add3A_64, %dma_start3A_65] : memref<819200x64xf32, #tpu.memory_space<hbm>> -> memref<128x64xf32, #tpu.memory_space<hbm>>
    %dma_start3A_67 = arith.constant 0 : i32
    %dma_start3A_68 = tpu.memref_slice %arg4[%add3A_64, %dma_start3A_67] : memref<819200x64xf32, #tpu.memory_space<hbm>> -> memref<128x64xf32, #tpu.memory_space<hbm>>
    tpu.enqueue_dma source(%arg7 : memref<128x64xf32, #tpu.memory_space<vmem>>) target(%dma_start3A_68 : memref<128x64xf32, #tpu.memory_space<hbm>>) target_semaphore(%arg23 : memref<!tpu.dma_semaphore, #tpu.memory_space<semaphore_mem>>)
    %dma_start3A_69 = arith.constant 6 : i32
    %dma_start3A_70 = arith.constant 0 : i32
    %dma_start3A_71 = tpu.memref_slice %arg5[%dma_start3A_69, %dma_start3A_70] : memref<200x128xi32, #tpu.memory_space<vmem>> -> memref<1x128xi32, #tpu.memory_space<vmem>>
    %dma_start3A_72 = tpu.memref_squeeze %dma_start3A_71 : memref<1x128xi32, #tpu.memory_space<vmem>> -> memref<128xi32, #tpu.memory_space<vmem>>
    %dma_start3A_73 = arith.constant 0 : i32
    %dma_start3A_74 = arith.constant 0 : i32
    %dma_start3A_75 = tpu.memref_slice %arg3[%dma_start3A_73, %dma_start3A_74] : memref<1000000x64xf32, #tpu.memory_space<hbm>> -> memref<1000000x64xf32, #tpu.memory_space<hbm>>
    tpu.enqueue_indirect_dma source(%dma_start3A_75 : memref<1000000x64xf32, #tpu.memory_space<hbm>>) target(%arg12 : memref<128x64xf32, #tpu.memory_space<vmem>>) offsets(%dma_start3A_72 : memref<128xi32, #tpu.memory_space<vmem>>) semaphore(%arg20 : memref<!tpu.dma_semaphore, #tpu.memory_space<semaphore_mem>>)
    %dma_wait3A_76 = arith.constant 0 : i32
    %dma_wait3A_77 = arith.constant 0 : i32
    %dma_wait3A_78 = tpu.memref_slice %arg5[%dma_wait3A_76, %dma_wait3A_77] : memref<200x128xi32, #tpu.memory_space<vmem>> -> memref<1x128xi32, #tpu.memory_space<vmem>>
    %dma_wait3A_79 = tpu.memref_squeeze %dma_wait3A_78 : memref<1x128xi32, #tpu.memory_space<vmem>> -> memref<128xi32, #tpu.memory_space<vmem>>
    %dma_wait3A_80 = arith.constant 0 : i32
    %dma_wait3A_81 = arith.constant 0 : i32
    %dma_wait3A_82 = tpu.memref_slice %arg3[%dma_wait3A_80, %dma_wait3A_81] : memref<1000000x64xf32, #tpu.memory_space<hbm>> -> memref<1000000x64xf32, #tpu.memory_space<hbm>>
    tpu.wait_indirect_dma semaphore(%arg16 : memref<!tpu.dma_semaphore, #tpu.memory_space<semaphore_mem>>) src(%dma_wait3A_82 : memref<1000000x64xf32, #tpu.memory_space<hbm>>) dst(%arg8 : memref<128x64xf32, #tpu.memory_space<vmem>>)
    %add3A_83 = arith.constant 256 : i32
    %add3A_84 = arith.addi %mul3A_2, %add3A_83 : i32
    %dma_start3A_85 = arith.constant 0 : i32
    %dma_start3A_86 = tpu.memref_slice %arg4[%add3A_84, %dma_start3A_85] : memref<819200x64xf32, #tpu.memory_space<hbm>> -> memref<128x64xf32, #tpu.memory_space<hbm>>
    %dma_start3A_87 = arith.constant 0 : i32
    %dma_start3A_88 = tpu.memref_slice %arg4[%add3A_84, %dma_start3A_87] : memref<819200x64xf32, #tpu.memory_space<hbm>> -> memref<128x64xf32, #tpu.memory_space<hbm>>
    tpu.enqueue_dma source(%arg8 : memref<128x64xf32, #tpu.memory_space<vmem>>) target(%dma_start3A_88 : memref<128x64xf32, #tpu.memory_space<hbm>>) target_semaphore(%arg24 : memref<!tpu.dma_semaphore, #tpu.memory_space<semaphore_mem>>)
    %dma_start3A_89 = arith.constant 7 : i32
    %dma_start3A_90 = arith.constant 0 : i32
    %dma_start3A_91 = tpu.memref_slice %arg5[%dma_start3A_89, %dma_start3A_90] : memref<200x128xi32, #tpu.memory_space<vmem>> -> memref<1x128xi32, #tpu.memory_space<vmem>>
    %dma_start3A_92 = tpu.memref_squeeze %dma_start3A_91 : memref<1x128xi32, #tpu.memory_space<vmem>> -> memref<128xi32, #tpu.memory_space<vmem>>
    %dma_start3A_93 = arith.constant 0 : i32
    %dma_start3A_94 = arith.constant 0 : i32
    %dma_start3A_95 = tpu.memref_slice %arg3[%dma_start3A_93, %dma_start3A_94] : memref<1000000x64xf32, #tpu.memory_space<hbm>> -> memref<1000000x64xf32, #tpu.memory_space<hbm>>
    tpu.enqueue_indirect_dma source(%dma_start3A_95 : memref<1000000x64xf32, #tpu.memory_space<hbm>>) target(%arg13 : memref<128x64xf32, #tpu.memory_space<vmem>>) offsets(%dma_start3A_92 : memref<128xi32, #tpu.memory_space<vmem>>) semaphore(%arg21 : memref<!tpu.dma_semaphore, #tpu.memory_space<semaphore_mem>>)
    %dma_wait3A_96 = arith.constant 0 : i32
    %dma_wait3A_97 = arith.constant 0 : i32
    %dma_wait3A_98 = tpu.memref_slice %arg5[%dma_wait3A_96, %dma_wait3A_97] : memref<200x128xi32, #tpu.memory_space<vmem>> -> memref<1x128xi32, #tpu.memory_space<vmem>>
    %dma_wait3A_99 = tpu.memref_squeeze %dma_wait3A_98 : memref<1x128xi32, #tpu.memory_space<vmem>> -> memref<128xi32, #tpu.memory_space<vmem>>
    %dma_wait3A_100 = arith.constant 0 : i32
    %dma_wait3A_101 = arith.constant 0 : i32
    %dma_wait3A_102 = tpu.memref_slice %arg3[%dma_wait3A_100, %dma_wait3A_101] : memref<1000000x64xf32, #tpu.memory_space<hbm>> -> memref<1000000x64xf32, #tpu.memory_space<hbm>>
    tpu.wait_indirect_dma semaphore(%arg17 : memref<!tpu.dma_semaphore, #tpu.memory_space<semaphore_mem>>) src(%dma_wait3A_102 : memref<1000000x64xf32, #tpu.memory_space<hbm>>) dst(%arg9 : memref<128x64xf32, #tpu.memory_space<vmem>>)
    %add3A_103 = arith.constant 384 : i32
    %add3A_104 = arith.addi %mul3A_2, %add3A_103 : i32
    %dma_start3A_105 = arith.constant 0 : i32
    %dma_start3A_106 = tpu.memref_slice %arg4[%add3A_104, %dma_start3A_105] : memref<819200x64xf32, #tpu.memory_space<hbm>> -> memref<128x64xf32, #tpu.memory_space<hbm>>
    %dma_start3A_107 = arith.constant 0 : i32
    %dma_start3A_108 = tpu.memref_slice %arg4[%add3A_104, %dma_start3A_107] : memref<819200x64xf32, #tpu.memory_space<hbm>> -> memref<128x64xf32, #tpu.memory_space<hbm>>
    tpu.enqueue_dma source(%arg9 : memref<128x64xf32, #tpu.memory_space<vmem>>) target(%dma_start3A_108 : memref<128x64xf32, #tpu.memory_space<hbm>>) target_semaphore(%arg25 : memref<!tpu.dma_semaphore, #tpu.memory_space<semaphore_mem>>)
    %scan3A = arith.constant 0 : i32
    %scan3A_109 = arith.constant 24 : i32
    %scan3A_110 = arith.addi %scan3A, %scan3A_109 : i32
    %scan3A_111 = arith.constant 1 : i32
    scf.for %scan3A_197 = %scan3A to %scan3A_110 step %scan3A_111  : i32 {
      %mul3A_198 = arith.constant 1 : i32
      %mul3A_199 = arith.muli %scan3A_197, %mul3A_198 : i32
      %add3A_200 = arith.constant 1 : i32
      %add3A_201 = arith.addi %add3A_200, %mul3A_199 : i32
      %mul3A_202 = arith.constant 8 : i32
      %mul3A_203 = arith.muli %add3A_201, %mul3A_202 : i32
      %dma_wait3A_204 = arith.constant 0 : i32
      %dma_wait3A_205 = tpu.memref_slice %arg4[%mul3A_2, %dma_wait3A_204] : memref<819200x64xf32, #tpu.memory_space<hbm>> -> memref<128x64xf32, #tpu.memory_space<hbm>>
      %dma_wait3A_206 = arith.constant 0 : i32
      %dma_wait3A_207 = tpu.memref_slice %arg4[%mul3A_2, %dma_wait3A_206] : memref<819200x64xf32, #tpu.memory_space<hbm>> -> memref<128x64xf32, #tpu.memory_space<hbm>>
      tpu.wait_dma2 semaphore(%arg22 : memref<!tpu.dma_semaphore, #tpu.memory_space<semaphore_mem>>) src(%arg6 : memref<128x64xf32, #tpu.memory_space<vmem>>) dst(%dma_wait3A_207 : memref<128x64xf32, #tpu.memory_space<hbm>>)
      %add3A_208 = arith.constant 0 : i32
      %add3A_209 = arith.addi %mul3A_203, %add3A_208 : i32
      %dma_start3A_210 = arith.constant 0 : i32
      %dma_start3A_211 = tpu.memref_slice %arg5[%add3A_209, %dma_start3A_210] : memref<200x128xi32, #tpu.memory_space<vmem>> -> memref<1x128xi32, #tpu.memory_space<vmem>>
      %dma_start3A_212 = tpu.memref_squeeze %dma_start3A_211 : memref<1x128xi32, #tpu.memory_space<vmem>> -> memref<128xi32, #tpu.memory_space<vmem>>
      %dma_start3A_213 = arith.constant 0 : i32
      %dma_start3A_214 = arith.constant 0 : i32
      %dma_start3A_215 = tpu.memref_slice %arg3[%dma_start3A_213, %dma_start3A_214] : memref<1000000x64xf32, #tpu.memory_space<hbm>> -> memref<1000000x64xf32, #tpu.memory_space<hbm>>
      tpu.enqueue_indirect_dma source(%dma_start3A_215 : memref<1000000x64xf32, #tpu.memory_space<hbm>>) target(%arg6 : memref<128x64xf32, #tpu.memory_space<vmem>>) offsets(%dma_start3A_212 : memref<128xi32, #tpu.memory_space<vmem>>) semaphore(%arg14 : memref<!tpu.dma_semaphore, #tpu.memory_space<semaphore_mem>>)
      %dma_wait3A_216 = arith.constant 0 : i32
      %dma_wait3A_217 = arith.constant 0 : i32
      %dma_wait3A_218 = tpu.memref_slice %arg5[%dma_wait3A_216, %dma_wait3A_217] : memref<200x128xi32, #tpu.memory_space<vmem>> -> memref<1x128xi32, #tpu.memory_space<vmem>>
      %dma_wait3A_219 = tpu.memref_squeeze %dma_wait3A_218 : memref<1x128xi32, #tpu.memory_space<vmem>> -> memref<128xi32, #tpu.memory_space<vmem>>
      %dma_wait3A_220 = arith.constant 0 : i32
      %dma_wait3A_221 = arith.constant 0 : i32
      %dma_wait3A_222 = tpu.memref_slice %arg3[%dma_wait3A_220, %dma_wait3A_221] : memref<1000000x64xf32, #tpu.memory_space<hbm>> -> memref<1000000x64xf32, #tpu.memory_space<hbm>>
      tpu.wait_indirect_dma semaphore(%arg18 : memref<!tpu.dma_semaphore, #tpu.memory_space<semaphore_mem>>) src(%dma_wait3A_222 : memref<1000000x64xf32, #tpu.memory_space<hbm>>) dst(%arg10 : memref<128x64xf32, #tpu.memory_space<vmem>>)
      %add3A_223 = arith.constant 0 : i32
      %add3A_224 = arith.addi %mul3A_203, %add3A_223 : i32
      %sub3A = arith.constant 4 : i32
      %sub3A_225 = arith.subi %add3A_224, %sub3A : i32
      %mul3A_226 = arith.constant 128 : i32
      %mul3A_227 = arith.muli %sub3A_225, %mul3A_226 : i32
      %add3A_228 = arith.addi %mul3A_2, %mul3A_227 : i32
      %dma_start3A_229 = arith.constant 0 : i32
      %dma_start3A_230 = tpu.memref_slice %arg4[%add3A_228, %dma_start3A_229] : memref<819200x64xf32, #tpu.memory_space<hbm>> -> memref<128x64xf32, #tpu.memory_space<hbm>>
      %dma_start3A_231 = arith.constant 0 : i32
      %dma_start3A_232 = tpu.memref_slice %arg4[%add3A_228, %dma_start3A_231] : memref<819200x64xf32, #tpu.memory_space<hbm>> -> memref<128x64xf32, #tpu.memory_space<hbm>>
      tpu.enqueue_dma source(%arg10 : memref<128x64xf32, #tpu.memory_space<vmem>>) target(%dma_start3A_232 : memref<128x64xf32, #tpu.memory_space<hbm>>) target_semaphore(%arg26 : memref<!tpu.dma_semaphore, #tpu.memory_space<semaphore_mem>>)
      %dma_wait3A_233 = arith.constant 0 : i32
      %dma_wait3A_234 = tpu.memref_slice %arg4[%mul3A_2, %dma_wait3A_233] : memref<819200x64xf32, #tpu.memory_space<hbm>> -> memref<128x64xf32, #tpu.memory_space<hbm>>
      %dma_wait3A_235 = arith.constant 0 : i32
      %dma_wait3A_236 = tpu.memref_slice %arg4[%mul3A_2, %dma_wait3A_235] : memref<819200x64xf32, #tpu.memory_space<hbm>> -> memref<128x64xf32, #tpu.memory_space<hbm>>
      tpu.wait_dma2 semaphore(%arg23 : memref<!tpu.dma_semaphore, #tpu.memory_space<semaphore_mem>>) src(%arg7 : memref<128x64xf32, #tpu.memory_space<vmem>>) dst(%dma_wait3A_236 : memref<128x64xf32, #tpu.memory_space<hbm>>)
      %add3A_237 = arith.constant 1 : i32
      %add3A_238 = arith.addi %mul3A_203, %add3A_237 : i32
      %dma_start3A_239 = arith.constant 0 : i32
      %dma_start3A_240 = tpu.memref_slice %arg5[%add3A_238, %dma_start3A_239] : memref<200x128xi32, #tpu.memory_space<vmem>> -> memref<1x128xi32, #tpu.memory_space<vmem>>
      %dma_start3A_241 = tpu.memref_squeeze %dma_start3A_240 : memref<1x128xi32, #tpu.memory_space<vmem>> -> memref<128xi32, #tpu.memory_space<vmem>>
      %dma_start3A_242 = arith.constant 0 : i32
      %dma_start3A_243 = arith.constant 0 : i32
      %dma_start3A_244 = tpu.memref_slice %arg3[%dma_start3A_242, %dma_start3A_243] : memref<1000000x64xf32, #tpu.memory_space<hbm>> -> memref<1000000x64xf32, #tpu.memory_space<hbm>>
      tpu.enqueue_indirect_dma source(%dma_start3A_244 : memref<1000000x64xf32, #tpu.memory_space<hbm>>) target(%arg7 : memref<128x64xf32, #tpu.memory_space<vmem>>) offsets(%dma_start3A_241 : memref<128xi32, #tpu.memory_space<vmem>>) semaphore(%arg15 : memref<!tpu.dma_semaphore, #tpu.memory_space<semaphore_mem>>)
      %dma_wait3A_245 = arith.constant 0 : i32
      %dma_wait3A_246 = arith.constant 0 : i32
      %dma_wait3A_247 = tpu.memref_slice %arg5[%dma_wait3A_245, %dma_wait3A_246] : memref<200x128xi32, #tpu.memory_space<vmem>> -> memref<1x128xi32, #tpu.memory_space<vmem>>
      %dma_wait3A_248 = tpu.memref_squeeze %dma_wait3A_247 : memref<1x128xi32, #tpu.memory_space<vmem>> -> memref<128xi32, #tpu.memory_space<vmem>>
      %dma_wait3A_249 = arith.constant 0 : i32
      %dma_wait3A_250 = arith.constant 0 : i32
      %dma_wait3A_251 = tpu.memref_slice %arg3[%dma_wait3A_249, %dma_wait3A_250] : memref<1000000x64xf32, #tpu.memory_space<hbm>> -> memref<1000000x64xf32, #tpu.memory_space<hbm>>
      tpu.wait_indirect_dma semaphore(%arg19 : memref<!tpu.dma_semaphore, #tpu.memory_space<semaphore_mem>>) src(%dma_wait3A_251 : memref<1000000x64xf32, #tpu.memory_space<hbm>>) dst(%arg11 : memref<128x64xf32, #tpu.memory_space<vmem>>)
      %add3A_252 = arith.constant 1 : i32
      %add3A_253 = arith.addi %mul3A_203, %add3A_252 : i32
      %sub3A_254 = arith.constant 4 : i32
      %sub3A_255 = arith.subi %add3A_253, %sub3A_254 : i32
      %mul3A_256 = arith.constant 128 : i32
      %mul3A_257 = arith.muli %sub3A_255, %mul3A_256 : i32
      %add3A_258 = arith.addi %mul3A_2, %mul3A_257 : i32
      %dma_start3A_259 = arith.constant 0 : i32
      %dma_start3A_260 = tpu.memref_slice %arg4[%add3A_258, %dma_start3A_259] : memref<819200x64xf32, #tpu.memory_space<hbm>> -> memref<128x64xf32, #tpu.memory_space<hbm>>
      %dma_start3A_261 = arith.constant 0 : i32
      %dma_start3A_262 = tpu.memref_slice %arg4[%add3A_258, %dma_start3A_261] : memref<819200x64xf32, #tpu.memory_space<hbm>> -> memref<128x64xf32, #tpu.memory_space<hbm>>
      tpu.enqueue_dma source(%arg11 : memref<128x64xf32, #tpu.memory_space<vmem>>) target(%dma_start3A_262 : memref<128x64xf32, #tpu.memory_space<hbm>>) target_semaphore(%arg27 : memref<!tpu.dma_semaphore, #tpu.memory_space<semaphore_mem>>)
      %dma_wait3A_263 = arith.constant 0 : i32
      %dma_wait3A_264 = tpu.memref_slice %arg4[%mul3A_2, %dma_wait3A_263] : memref<819200x64xf32, #tpu.memory_space<hbm>> -> memref<128x64xf32, #tpu.memory_space<hbm>>
      %dma_wait3A_265 = arith.constant 0 : i32
      %dma_wait3A_266 = tpu.memref_slice %arg4[%mul3A_2, %dma_wait3A_265] : memref<819200x64xf32, #tpu.memory_space<hbm>> -> memref<128x64xf32, #tpu.memory_space<hbm>>
      tpu.wait_dma2 semaphore(%arg24 : memref<!tpu.dma_semaphore, #tpu.memory_space<semaphore_mem>>) src(%arg8 : memref<128x64xf32, #tpu.memory_space<vmem>>) dst(%dma_wait3A_266 : memref<128x64xf32, #tpu.memory_space<hbm>>)
      %add3A_267 = arith.constant 2 : i32
      %add3A_268 = arith.addi %mul3A_203, %add3A_267 : i32
      %dma_start3A_269 = arith.constant 0 : i32
      %dma_start3A_270 = tpu.memref_slice %arg5[%add3A_268, %dma_start3A_269] : memref<200x128xi32, #tpu.memory_space<vmem>> -> memref<1x128xi32, #tpu.memory_space<vmem>>
      %dma_start3A_271 = tpu.memref_squeeze %dma_start3A_270 : memref<1x128xi32, #tpu.memory_space<vmem>> -> memref<128xi32, #tpu.memory_space<vmem>>
      %dma_start3A_272 = arith.constant 0 : i32
      %dma_start3A_273 = arith.constant 0 : i32
      %dma_start3A_274 = tpu.memref_slice %arg3[%dma_start3A_272, %dma_start3A_273] : memref<1000000x64xf32, #tpu.memory_space<hbm>> -> memref<1000000x64xf32, #tpu.memory_space<hbm>>
      tpu.enqueue_indirect_dma source(%dma_start3A_274 : memref<1000000x64xf32, #tpu.memory_space<hbm>>) target(%arg8 : memref<128x64xf32, #tpu.memory_space<vmem>>) offsets(%dma_start3A_271 : memref<128xi32, #tpu.memory_space<vmem>>) semaphore(%arg16 : memref<!tpu.dma_semaphore, #tpu.memory_space<semaphore_mem>>)
      %dma_wait3A_275 = arith.constant 0 : i32
      %dma_wait3A_276 = arith.constant 0 : i32
      %dma_wait3A_277 = tpu.memref_slice %arg5[%dma_wait3A_275, %dma_wait3A_276] : memref<200x128xi32, #tpu.memory_space<vmem>> -> memref<1x128xi32, #tpu.memory_space<vmem>>
      %dma_wait3A_278 = tpu.memref_squeeze %dma_wait3A_277 : memref<1x128xi32, #tpu.memory_space<vmem>> -> memref<128xi32, #tpu.memory_space<vmem>>
      %dma_wait3A_279 = arith.constant 0 : i32
      %dma_wait3A_280 = arith.constant 0 : i32
      %dma_wait3A_281 = tpu.memref_slice %arg3[%dma_wait3A_279, %dma_wait3A_280] : memref<1000000x64xf32, #tpu.memory_space<hbm>> -> memref<1000000x64xf32, #tpu.memory_space<hbm>>
      tpu.wait_indirect_dma semaphore(%arg20 : memref<!tpu.dma_semaphore, #tpu.memory_space<semaphore_mem>>) src(%dma_wait3A_281 : memref<1000000x64xf32, #tpu.memory_space<hbm>>) dst(%arg12 : memref<128x64xf32, #tpu.memory_space<vmem>>)
      %add3A_282 = arith.constant 2 : i32
      %add3A_283 = arith.addi %mul3A_203, %add3A_282 : i32
      %sub3A_284 = arith.constant 4 : i32
      %sub3A_285 = arith.subi %add3A_283, %sub3A_284 : i32
      %mul3A_286 = arith.constant 128 : i32
      %mul3A_287 = arith.muli %sub3A_285, %mul3A_286 : i32
      %add3A_288 = arith.addi %mul3A_2, %mul3A_287 : i32
      %dma_start3A_289 = arith.constant 0 : i32
      %dma_start3A_290 = tpu.memref_slice %arg4[%add3A_288, %dma_start3A_289] : memref<819200x64xf32, #tpu.memory_space<hbm>> -> memref<128x64xf32, #tpu.memory_space<hbm>>
      %dma_start3A_291 = arith.constant 0 : i32
      %dma_start3A_292 = tpu.memref_slice %arg4[%add3A_288, %dma_start3A_291] : memref<819200x64xf32, #tpu.memory_space<hbm>> -> memref<128x64xf32, #tpu.memory_space<hbm>>
      tpu.enqueue_dma source(%arg12 : memref<128x64xf32, #tpu.memory_space<vmem>>) target(%dma_start3A_292 : memref<128x64xf32, #tpu.memory_space<hbm>>) target_semaphore(%arg28 : memref<!tpu.dma_semaphore, #tpu.memory_space<semaphore_mem>>)
      %dma_wait3A_293 = arith.constant 0 : i32
      %dma_wait3A_294 = tpu.memref_slice %arg4[%mul3A_2, %dma_wait3A_293] : memref<819200x64xf32, #tpu.memory_space<hbm>> -> memref<128x64xf32, #tpu.memory_space<hbm>>
      %dma_wait3A_295 = arith.constant 0 : i32
      %dma_wait3A_296 = tpu.memref_slice %arg4[%mul3A_2, %dma_wait3A_295] : memref<819200x64xf32, #tpu.memory_space<hbm>> -> memref<128x64xf32, #tpu.memory_space<hbm>>
      tpu.wait_dma2 semaphore(%arg25 : memref<!tpu.dma_semaphore, #tpu.memory_space<semaphore_mem>>) src(%arg9 : memref<128x64xf32, #tpu.memory_space<vmem>>) dst(%dma_wait3A_296 : memref<128x64xf32, #tpu.memory_space<hbm>>)
      %add3A_297 = arith.constant 3 : i32
      %add3A_298 = arith.addi %mul3A_203, %add3A_297 : i32
      %dma_start3A_299 = arith.constant 0 : i32
      %dma_start3A_300 = tpu.memref_slice %arg5[%add3A_298, %dma_start3A_299] : memref<200x128xi32, #tpu.memory_space<vmem>> -> memref<1x128xi32, #tpu.memory_space<vmem>>
      %dma_start3A_301 = tpu.memref_squeeze %dma_start3A_300 : memref<1x128xi32, #tpu.memory_space<vmem>> -> memref<128xi32, #tpu.memory_space<vmem>>
      %dma_start3A_302 = arith.constant 0 : i32
      %dma_start3A_303 = arith.constant 0 : i32
      %dma_start3A_304 = tpu.memref_slice %arg3[%dma_start3A_302, %dma_start3A_303] : memref<1000000x64xf32, #tpu.memory_space<hbm>> -> memref<1000000x64xf32, #tpu.memory_space<hbm>>
      tpu.enqueue_indirect_dma source(%dma_start3A_304 : memref<1000000x64xf32, #tpu.memory_space<hbm>>) target(%arg9 : memref<128x64xf32, #tpu.memory_space<vmem>>) offsets(%dma_start3A_301 : memref<128xi32, #tpu.memory_space<vmem>>) semaphore(%arg17 : memref<!tpu.dma_semaphore, #tpu.memory_space<semaphore_mem>>)
      %dma_wait3A_305 = arith.constant 0 : i32
      %dma_wait3A_306 = arith.constant 0 : i32
      %dma_wait3A_307 = tpu.memref_slice %arg5[%dma_wait3A_305, %dma_wait3A_306] : memref<200x128xi32, #tpu.memory_space<vmem>> -> memref<1x128xi32, #tpu.memory_space<vmem>>
      %dma_wait3A_308 = tpu.memref_squeeze %dma_wait3A_307 : memref<1x128xi32, #tpu.memory_space<vmem>> -> memref<128xi32, #tpu.memory_space<vmem>>
      %dma_wait3A_309 = arith.constant 0 : i32
      %dma_wait3A_310 = arith.constant 0 : i32
      %dma_wait3A_311 = tpu.memref_slice %arg3[%dma_wait3A_309, %dma_wait3A_310] : memref<1000000x64xf32, #tpu.memory_space<hbm>> -> memref<1000000x64xf32, #tpu.memory_space<hbm>>
      tpu.wait_indirect_dma semaphore(%arg21 : memref<!tpu.dma_semaphore, #tpu.memory_space<semaphore_mem>>) src(%dma_wait3A_311 : memref<1000000x64xf32, #tpu.memory_space<hbm>>) dst(%arg13 : memref<128x64xf32, #tpu.memory_space<vmem>>)
      %add3A_312 = arith.constant 3 : i32
      %add3A_313 = arith.addi %mul3A_203, %add3A_312 : i32
      %sub3A_314 = arith.constant 4 : i32
      %sub3A_315 = arith.subi %add3A_313, %sub3A_314 : i32
      %mul3A_316 = arith.constant 128 : i32
      %mul3A_317 = arith.muli %sub3A_315, %mul3A_316 : i32
      %add3A_318 = arith.addi %mul3A_2, %mul3A_317 : i32
      %dma_start3A_319 = arith.constant 0 : i32
      %dma_start3A_320 = tpu.memref_slice %arg4[%add3A_318, %dma_start3A_319] : memref<819200x64xf32, #tpu.memory_space<hbm>> -> memref<128x64xf32, #tpu.memory_space<hbm>>
      %dma_start3A_321 = arith.constant 0 : i32
      %dma_start3A_322 = tpu.memref_slice %arg4[%add3A_318, %dma_start3A_321] : memref<819200x64xf32, #tpu.memory_space<hbm>> -> memref<128x64xf32, #tpu.memory_space<hbm>>
      tpu.enqueue_dma source(%arg13 : memref<128x64xf32, #tpu.memory_space<vmem>>) target(%dma_start3A_322 : memref<128x64xf32, #tpu.memory_space<hbm>>) target_semaphore(%arg29 : memref<!tpu.dma_semaphore, #tpu.memory_space<semaphore_mem>>)
      %dma_wait3A_323 = arith.constant 0 : i32
      %dma_wait3A_324 = tpu.memref_slice %arg4[%mul3A_2, %dma_wait3A_323] : memref<819200x64xf32, #tpu.memory_space<hbm>> -> memref<128x64xf32, #tpu.memory_space<hbm>>
      %dma_wait3A_325 = arith.constant 0 : i32
      %dma_wait3A_326 = tpu.memref_slice %arg4[%mul3A_2, %dma_wait3A_325] : memref<819200x64xf32, #tpu.memory_space<hbm>> -> memref<128x64xf32, #tpu.memory_space<hbm>>
      tpu.wait_dma2 semaphore(%arg26 : memref<!tpu.dma_semaphore, #tpu.memory_space<semaphore_mem>>) src(%arg10 : memref<128x64xf32, #tpu.memory_space<vmem>>) dst(%dma_wait3A_326 : memref<128x64xf32, #tpu.memory_space<hbm>>)
      %add3A_327 = arith.constant 4 : i32
      %add3A_328 = arith.addi %mul3A_203, %add3A_327 : i32
      %dma_start3A_329 = arith.constant 0 : i32
      %dma_start3A_330 = tpu.memref_slice %arg5[%add3A_328, %dma_start3A_329] : memref<200x128xi32, #tpu.memory_space<vmem>> -> memref<1x128xi32, #tpu.memory_space<vmem>>
      %dma_start3A_331 = tpu.memref_squeeze %dma_start3A_330 : memref<1x128xi32, #tpu.memory_space<vmem>> -> memref<128xi32, #tpu.memory_space<vmem>>
      %dma_start3A_332 = arith.constant 0 : i32
      %dma_start3A_333 = arith.constant 0 : i32
      %dma_start3A_334 = tpu.memref_slice %arg3[%dma_start3A_332, %dma_start3A_333] : memref<1000000x64xf32, #tpu.memory_space<hbm>> -> memref<1000000x64xf32, #tpu.memory_space<hbm>>
      tpu.enqueue_indirect_dma source(%dma_start3A_334 : memref<1000000x64xf32, #tpu.memory_space<hbm>>) target(%arg10 : memref<128x64xf32, #tpu.memory_space<vmem>>) offsets(%dma_start3A_331 : memref<128xi32, #tpu.memory_space<vmem>>) semaphore(%arg18 : memref<!tpu.dma_semaphore, #tpu.memory_space<semaphore_mem>>)
      %dma_wait3A_335 = arith.constant 0 : i32
      %dma_wait3A_336 = arith.constant 0 : i32
      %dma_wait3A_337 = tpu.memref_slice %arg5[%dma_wait3A_335, %dma_wait3A_336] : memref<200x128xi32, #tpu.memory_space<vmem>> -> memref<1x128xi32, #tpu.memory_space<vmem>>
      %dma_wait3A_338 = tpu.memref_squeeze %dma_wait3A_337 : memref<1x128xi32, #tpu.memory_space<vmem>> -> memref<128xi32, #tpu.memory_space<vmem>>
      %dma_wait3A_339 = arith.constant 0 : i32
      %dma_wait3A_340 = arith.constant 0 : i32
      %dma_wait3A_341 = tpu.memref_slice %arg3[%dma_wait3A_339, %dma_wait3A_340] : memref<1000000x64xf32, #tpu.memory_space<hbm>> -> memref<1000000x64xf32, #tpu.memory_space<hbm>>
      tpu.wait_indirect_dma semaphore(%arg14 : memref<!tpu.dma_semaphore, #tpu.memory_space<semaphore_mem>>) src(%dma_wait3A_341 : memref<1000000x64xf32, #tpu.memory_space<hbm>>) dst(%arg6 : memref<128x64xf32, #tpu.memory_space<vmem>>)
      %add3A_342 = arith.constant 4 : i32
      %add3A_343 = arith.addi %mul3A_203, %add3A_342 : i32
      %sub3A_344 = arith.constant 4 : i32
      %sub3A_345 = arith.subi %add3A_343, %sub3A_344 : i32
      %mul3A_346 = arith.constant 128 : i32
      %mul3A_347 = arith.muli %sub3A_345, %mul3A_346 : i32
      %add3A_348 = arith.addi %mul3A_2, %mul3A_347 : i32
      %dma_start3A_349 = arith.constant 0 : i32
      %dma_start3A_350 = tpu.memref_slice %arg4[%add3A_348, %dma_start3A_349] : memref<819200x64xf32, #tpu.memory_space<hbm>> -> memref<128x64xf32, #tpu.memory_space<hbm>>
      %dma_start3A_351 = arith.constant 0 : i32
      %dma_start3A_352 = tpu.memref_slice %arg4[%add3A_348, %dma_start3A_351] : memref<819200x64xf32, #tpu.memory_space<hbm>> -> memref<128x64xf32, #tpu.memory_space<hbm>>
      tpu.enqueue_dma source(%arg6 : memref<128x64xf32, #tpu.memory_space<vmem>>) target(%dma_start3A_352 : memref<128x64xf32, #tpu.memory_space<hbm>>) target_semaphore(%arg22 : memref<!tpu.dma_semaphore, #tpu.memory_space<semaphore_mem>>)
      %dma_wait3A_353 = arith.constant 0 : i32
      %dma_wait3A_354 = tpu.memref_slice %arg4[%mul3A_2, %dma_wait3A_353] : memref<819200x64xf32, #tpu.memory_space<hbm>> -> memref<128x64xf32, #tpu.memory_space<hbm>>
      %dma_wait3A_355 = arith.constant 0 : i32
      %dma_wait3A_356 = tpu.memref_slice %arg4[%mul3A_2, %dma_wait3A_355] : memref<819200x64xf32, #tpu.memory_space<hbm>> -> memref<128x64xf32, #tpu.memory_space<hbm>>
      tpu.wait_dma2 semaphore(%arg27 : memref<!tpu.dma_semaphore, #tpu.memory_space<semaphore_mem>>) src(%arg11 : memref<128x64xf32, #tpu.memory_space<vmem>>) dst(%dma_wait3A_356 : memref<128x64xf32, #tpu.memory_space<hbm>>)
      %add3A_357 = arith.constant 5 : i32
      %add3A_358 = arith.addi %mul3A_203, %add3A_357 : i32
      %dma_start3A_359 = arith.constant 0 : i32
      %dma_start3A_360 = tpu.memref_slice %arg5[%add3A_358, %dma_start3A_359] : memref<200x128xi32, #tpu.memory_space<vmem>> -> memref<1x128xi32, #tpu.memory_space<vmem>>
      %dma_start3A_361 = tpu.memref_squeeze %dma_start3A_360 : memref<1x128xi32, #tpu.memory_space<vmem>> -> memref<128xi32, #tpu.memory_space<vmem>>
      %dma_start3A_362 = arith.constant 0 : i32
      %dma_start3A_363 = arith.constant 0 : i32
      %dma_start3A_364 = tpu.memref_slice %arg3[%dma_start3A_362, %dma_start3A_363] : memref<1000000x64xf32, #tpu.memory_space<hbm>> -> memref<1000000x64xf32, #tpu.memory_space<hbm>>
      tpu.enqueue_indirect_dma source(%dma_start3A_364 : memref<1000000x64xf32, #tpu.memory_space<hbm>>) target(%arg11 : memref<128x64xf32, #tpu.memory_space<vmem>>) offsets(%dma_start3A_361 : memref<128xi32, #tpu.memory_space<vmem>>) semaphore(%arg19 : memref<!tpu.dma_semaphore, #tpu.memory_space<semaphore_mem>>)
      %dma_wait3A_365 = arith.constant 0 : i32
      %dma_wait3A_366 = arith.constant 0 : i32
      %dma_wait3A_367 = tpu.memref_slice %arg5[%dma_wait3A_365, %dma_wait3A_366] : memref<200x128xi32, #tpu.memory_space<vmem>> -> memref<1x128xi32, #tpu.memory_space<vmem>>
      %dma_wait3A_368 = tpu.memref_squeeze %dma_wait3A_367 : memref<1x128xi32, #tpu.memory_space<vmem>> -> memref<128xi32, #tpu.memory_space<vmem>>
      %dma_wait3A_369 = arith.constant 0 : i32
      %dma_wait3A_370 = arith.constant 0 : i32
      %dma_wait3A_371 = tpu.memref_slice %arg3[%dma_wait3A_369, %dma_wait3A_370] : memref<1000000x64xf32, #tpu.memory_space<hbm>> -> memref<1000000x64xf32, #tpu.memory_space<hbm>>
      tpu.wait_indirect_dma semaphore(%arg15 : memref<!tpu.dma_semaphore, #tpu.memory_space<semaphore_mem>>) src(%dma_wait3A_371 : memref<1000000x64xf32, #tpu.memory_space<hbm>>) dst(%arg7 : memref<128x64xf32, #tpu.memory_space<vmem>>)
      %add3A_372 = arith.constant 5 : i32
      %add3A_373 = arith.addi %mul3A_203, %add3A_372 : i32
      %sub3A_374 = arith.constant 4 : i32
      %sub3A_375 = arith.subi %add3A_373, %sub3A_374 : i32
      %mul3A_376 = arith.constant 128 : i32
      %mul3A_377 = arith.muli %sub3A_375, %mul3A_376 : i32
      %add3A_378 = arith.addi %mul3A_2, %mul3A_377 : i32
      %dma_start3A_379 = arith.constant 0 : i32
      %dma_start3A_380 = tpu.memref_slice %arg4[%add3A_378, %dma_start3A_379] : memref<819200x64xf32, #tpu.memory_space<hbm>> -> memref<128x64xf32, #tpu.memory_space<hbm>>
      %dma_start3A_381 = arith.constant 0 : i32
      %dma_start3A_382 = tpu.memref_slice %arg4[%add3A_378, %dma_start3A_381] : memref<819200x64xf32, #tpu.memory_space<hbm>> -> memref<128x64xf32, #tpu.memory_space<hbm>>
      tpu.enqueue_dma source(%arg7 : memref<128x64xf32, #tpu.memory_space<vmem>>) target(%dma_start3A_382 : memref<128x64xf32, #tpu.memory_space<hbm>>) target_semaphore(%arg23 : memref<!tpu.dma_semaphore, #tpu.memory_space<semaphore_mem>>)
      %dma_wait3A_383 = arith.constant 0 : i32
      %dma_wait3A_384 = tpu.memref_slice %arg4[%mul3A_2, %dma_wait3A_383] : memref<819200x64xf32, #tpu.memory_space<hbm>> -> memref<128x64xf32, #tpu.memory_space<hbm>>
      %dma_wait3A_385 = arith.constant 0 : i32
      %dma_wait3A_386 = tpu.memref_slice %arg4[%mul3A_2, %dma_wait3A_385] : memref<819200x64xf32, #tpu.memory_space<hbm>> -> memref<128x64xf32, #tpu.memory_space<hbm>>
      tpu.wait_dma2 semaphore(%arg28 : memref<!tpu.dma_semaphore, #tpu.memory_space<semaphore_mem>>) src(%arg12 : memref<128x64xf32, #tpu.memory_space<vmem>>) dst(%dma_wait3A_386 : memref<128x64xf32, #tpu.memory_space<hbm>>)
      %add3A_387 = arith.constant 6 : i32
      %add3A_388 = arith.addi %mul3A_203, %add3A_387 : i32
      %dma_start3A_389 = arith.constant 0 : i32
      %dma_start3A_390 = tpu.memref_slice %arg5[%add3A_388, %dma_start3A_389] : memref<200x128xi32, #tpu.memory_space<vmem>> -> memref<1x128xi32, #tpu.memory_space<vmem>>
      %dma_start3A_391 = tpu.memref_squeeze %dma_start3A_390 : memref<1x128xi32, #tpu.memory_space<vmem>> -> memref<128xi32, #tpu.memory_space<vmem>>
      %dma_start3A_392 = arith.constant 0 : i32
      %dma_start3A_393 = arith.constant 0 : i32
      %dma_start3A_394 = tpu.memref_slice %arg3[%dma_start3A_392, %dma_start3A_393] : memref<1000000x64xf32, #tpu.memory_space<hbm>> -> memref<1000000x64xf32, #tpu.memory_space<hbm>>
      tpu.enqueue_indirect_dma source(%dma_start3A_394 : memref<1000000x64xf32, #tpu.memory_space<hbm>>) target(%arg12 : memref<128x64xf32, #tpu.memory_space<vmem>>) offsets(%dma_start3A_391 : memref<128xi32, #tpu.memory_space<vmem>>) semaphore(%arg20 : memref<!tpu.dma_semaphore, #tpu.memory_space<semaphore_mem>>)
      %dma_wait3A_395 = arith.constant 0 : i32
      %dma_wait3A_396 = arith.constant 0 : i32
      %dma_wait3A_397 = tpu.memref_slice %arg5[%dma_wait3A_395, %dma_wait3A_396] : memref<200x128xi32, #tpu.memory_space<vmem>> -> memref<1x128xi32, #tpu.memory_space<vmem>>
      %dma_wait3A_398 = tpu.memref_squeeze %dma_wait3A_397 : memref<1x128xi32, #tpu.memory_space<vmem>> -> memref<128xi32, #tpu.memory_space<vmem>>
      %dma_wait3A_399 = arith.constant 0 : i32
      %dma_wait3A_400 = arith.constant 0 : i32
      %dma_wait3A_401 = tpu.memref_slice %arg3[%dma_wait3A_399, %dma_wait3A_400] : memref<1000000x64xf32, #tpu.memory_space<hbm>> -> memref<1000000x64xf32, #tpu.memory_space<hbm>>
      tpu.wait_indirect_dma semaphore(%arg16 : memref<!tpu.dma_semaphore, #tpu.memory_space<semaphore_mem>>) src(%dma_wait3A_401 : memref<1000000x64xf32, #tpu.memory_space<hbm>>) dst(%arg8 : memref<128x64xf32, #tpu.memory_space<vmem>>)
      %add3A_402 = arith.constant 6 : i32
      %add3A_403 = arith.addi %mul3A_203, %add3A_402 : i32
      %sub3A_404 = arith.constant 4 : i32
      %sub3A_405 = arith.subi %add3A_403, %sub3A_404 : i32
      %mul3A_406 = arith.constant 128 : i32
      %mul3A_407 = arith.muli %sub3A_405, %mul3A_406 : i32
      %add3A_408 = arith.addi %mul3A_2, %mul3A_407 : i32
      %dma_start3A_409 = arith.constant 0 : i32
      %dma_start3A_410 = tpu.memref_slice %arg4[%add3A_408, %dma_start3A_409] : memref<819200x64xf32, #tpu.memory_space<hbm>> -> memref<128x64xf32, #tpu.memory_space<hbm>>
      %dma_start3A_411 = arith.constant 0 : i32
      %dma_start3A_412 = tpu.memref_slice %arg4[%add3A_408, %dma_start3A_411] : memref<819200x64xf32, #tpu.memory_space<hbm>> -> memref<128x64xf32, #tpu.memory_space<hbm>>
      tpu.enqueue_dma source(%arg8 : memref<128x64xf32, #tpu.memory_space<vmem>>) target(%dma_start3A_412 : memref<128x64xf32, #tpu.memory_space<hbm>>) target_semaphore(%arg24 : memref<!tpu.dma_semaphore, #tpu.memory_space<semaphore_mem>>)
      %dma_wait3A_413 = arith.constant 0 : i32
      %dma_wait3A_414 = tpu.memref_slice %arg4[%mul3A_2, %dma_wait3A_413] : memref<819200x64xf32, #tpu.memory_space<hbm>> -> memref<128x64xf32, #tpu.memory_space<hbm>>
      %dma_wait3A_415 = arith.constant 0 : i32
      %dma_wait3A_416 = tpu.memref_slice %arg4[%mul3A_2, %dma_wait3A_415] : memref<819200x64xf32, #tpu.memory_space<hbm>> -> memref<128x64xf32, #tpu.memory_space<hbm>>
      tpu.wait_dma2 semaphore(%arg29 : memref<!tpu.dma_semaphore, #tpu.memory_space<semaphore_mem>>) src(%arg13 : memref<128x64xf32, #tpu.memory_space<vmem>>) dst(%dma_wait3A_416 : memref<128x64xf32, #tpu.memory_space<hbm>>)
      %add3A_417 = arith.constant 7 : i32
      %add3A_418 = arith.addi %mul3A_203, %add3A_417 : i32
      %dma_start3A_419 = arith.constant 0 : i32
      %dma_start3A_420 = tpu.memref_slice %arg5[%add3A_418, %dma_start3A_419] : memref<200x128xi32, #tpu.memory_space<vmem>> -> memref<1x128xi32, #tpu.memory_space<vmem>>
      %dma_start3A_421 = tpu.memref_squeeze %dma_start3A_420 : memref<1x128xi32, #tpu.memory_space<vmem>> -> memref<128xi32, #tpu.memory_space<vmem>>
      %dma_start3A_422 = arith.constant 0 : i32
      %dma_start3A_423 = arith.constant 0 : i32
      %dma_start3A_424 = tpu.memref_slice %arg3[%dma_start3A_422, %dma_start3A_423] : memref<1000000x64xf32, #tpu.memory_space<hbm>> -> memref<1000000x64xf32, #tpu.memory_space<hbm>>
      tpu.enqueue_indirect_dma source(%dma_start3A_424 : memref<1000000x64xf32, #tpu.memory_space<hbm>>) target(%arg13 : memref<128x64xf32, #tpu.memory_space<vmem>>) offsets(%dma_start3A_421 : memref<128xi32, #tpu.memory_space<vmem>>) semaphore(%arg21 : memref<!tpu.dma_semaphore, #tpu.memory_space<semaphore_mem>>)
      %dma_wait3A_425 = arith.constant 0 : i32
      %dma_wait3A_426 = arith.constant 0 : i32
      %dma_wait3A_427 = tpu.memref_slice %arg5[%dma_wait3A_425, %dma_wait3A_426] : memref<200x128xi32, #tpu.memory_space<vmem>> -> memref<1x128xi32, #tpu.memory_space<vmem>>
      %dma_wait3A_428 = tpu.memref_squeeze %dma_wait3A_427 : memref<1x128xi32, #tpu.memory_space<vmem>> -> memref<128xi32, #tpu.memory_space<vmem>>
      %dma_wait3A_429 = arith.constant 0 : i32
      %dma_wait3A_430 = arith.constant 0 : i32
      %dma_wait3A_431 = tpu.memref_slice %arg3[%dma_wait3A_429, %dma_wait3A_430] : memref<1000000x64xf32, #tpu.memory_space<hbm>> -> memref<1000000x64xf32, #tpu.memory_space<hbm>>
      tpu.wait_indirect_dma semaphore(%arg17 : memref<!tpu.dma_semaphore, #tpu.memory_space<semaphore_mem>>) src(%dma_wait3A_431 : memref<1000000x64xf32, #tpu.memory_space<hbm>>) dst(%arg9 : memref<128x64xf32, #tpu.memory_space<vmem>>)
      %add3A_432 = arith.constant 7 : i32
      %add3A_433 = arith.addi %mul3A_203, %add3A_432 : i32
      %sub3A_434 = arith.constant 4 : i32
      %sub3A_435 = arith.subi %add3A_433, %sub3A_434 : i32
      %mul3A_436 = arith.constant 128 : i32
      %mul3A_437 = arith.muli %sub3A_435, %mul3A_436 : i32
      %add3A_438 = arith.addi %mul3A_2, %mul3A_437 : i32
      %dma_start3A_439 = arith.constant 0 : i32
      %dma_start3A_440 = tpu.memref_slice %arg4[%add3A_438, %dma_start3A_439] : memref<819200x64xf32, #tpu.memory_space<hbm>> -> memref<128x64xf32, #tpu.memory_space<hbm>>
      %dma_start3A_441 = arith.constant 0 : i32
      %dma_start3A_442 = tpu.memref_slice %arg4[%add3A_438, %dma_start3A_441] : memref<819200x64xf32, #tpu.memory_space<hbm>> -> memref<128x64xf32, #tpu.memory_space<hbm>>
      tpu.enqueue_dma source(%arg9 : memref<128x64xf32, #tpu.memory_space<vmem>>) target(%dma_start3A_442 : memref<128x64xf32, #tpu.memory_space<hbm>>) target_semaphore(%arg25 : memref<!tpu.dma_semaphore, #tpu.memory_space<semaphore_mem>>)
    }
    %scan3A_112 = arith.constant 24 : i32
    %dma_wait3A_113 = arith.constant 0 : i32
    %dma_wait3A_114 = arith.constant 0 : i32
    %dma_wait3A_115 = tpu.memref_slice %arg5[%dma_wait3A_113, %dma_wait3A_114] : memref<200x128xi32, #tpu.memory_space<vmem>> -> memref<1x128xi32, #tpu.memory_space<vmem>>
    %dma_wait3A_116 = tpu.memref_squeeze %dma_wait3A_115 : memref<1x128xi32, #tpu.memory_space<vmem>> -> memref<128xi32, #tpu.memory_space<vmem>>
    %dma_wait3A_117 = arith.constant 0 : i32
    %dma_wait3A_118 = arith.constant 0 : i32
    %dma_wait3A_119 = tpu.memref_slice %arg3[%dma_wait3A_117, %dma_wait3A_118] : memref<1000000x64xf32, #tpu.memory_space<hbm>> -> memref<1000000x64xf32, #tpu.memory_space<hbm>>
    tpu.wait_indirect_dma semaphore(%arg18 : memref<!tpu.dma_semaphore, #tpu.memory_space<semaphore_mem>>) src(%dma_wait3A_119 : memref<1000000x64xf32, #tpu.memory_space<hbm>>) dst(%arg10 : memref<128x64xf32, #tpu.memory_space<vmem>>)
    %add3A_120 = arith.constant 25088 : i32
    %add3A_121 = arith.addi %mul3A_2, %add3A_120 : i32
    %dma_start3A_122 = arith.constant 0 : i32
    %dma_start3A_123 = tpu.memref_slice %arg4[%add3A_121, %dma_start3A_122] : memref<819200x64xf32, #tpu.memory_space<hbm>> -> memref<128x64xf32, #tpu.memory_space<hbm>>
    %dma_start3A_124 = arith.constant 0 : i32
    %dma_start3A_125 = tpu.memref_slice %arg4[%add3A_121, %dma_start3A_124] : memref<819200x64xf32, #tpu.memory_space<hbm>> -> memref<128x64xf32, #tpu.memory_space<hbm>>
    tpu.enqueue_dma source(%arg10 : memref<128x64xf32, #tpu.memory_space<vmem>>) target(%dma_start3A_125 : memref<128x64xf32, #tpu.memory_space<hbm>>) target_semaphore(%arg26 : memref<!tpu.dma_semaphore, #tpu.memory_space<semaphore_mem>>)
    %dma_wait3A_126 = arith.constant 0 : i32
    %dma_wait3A_127 = arith.constant 0 : i32
    %dma_wait3A_128 = tpu.memref_slice %arg5[%dma_wait3A_126, %dma_wait3A_127] : memref<200x128xi32, #tpu.memory_space<vmem>> -> memref<1x128xi32, #tpu.memory_space<vmem>>
    %dma_wait3A_129 = tpu.memref_squeeze %dma_wait3A_128 : memref<1x128xi32, #tpu.memory_space<vmem>> -> memref<128xi32, #tpu.memory_space<vmem>>
    %dma_wait3A_130 = arith.constant 0 : i32
    %dma_wait3A_131 = arith.constant 0 : i32
    %dma_wait3A_132 = tpu.memref_slice %arg3[%dma_wait3A_130, %dma_wait3A_131] : memref<1000000x64xf32, #tpu.memory_space<hbm>> -> memref<1000000x64xf32, #tpu.memory_space<hbm>>
    tpu.wait_indirect_dma semaphore(%arg19 : memref<!tpu.dma_semaphore, #tpu.memory_space<semaphore_mem>>) src(%dma_wait3A_132 : memref<1000000x64xf32, #tpu.memory_space<hbm>>) dst(%arg11 : memref<128x64xf32, #tpu.memory_space<vmem>>)
    %add3A_133 = arith.constant 25216 : i32
    %add3A_134 = arith.addi %mul3A_2, %add3A_133 : i32
    %dma_start3A_135 = arith.constant 0 : i32
    %dma_start3A_136 = tpu.memref_slice %arg4[%add3A_134, %dma_start3A_135] : memref<819200x64xf32, #tpu.memory_space<hbm>> -> memref<128x64xf32, #tpu.memory_space<hbm>>
    %dma_start3A_137 = arith.constant 0 : i32
    %dma_start3A_138 = tpu.memref_slice %arg4[%add3A_134, %dma_start3A_137] : memref<819200x64xf32, #tpu.memory_space<hbm>> -> memref<128x64xf32, #tpu.memory_space<hbm>>
    tpu.enqueue_dma source(%arg11 : memref<128x64xf32, #tpu.memory_space<vmem>>) target(%dma_start3A_138 : memref<128x64xf32, #tpu.memory_space<hbm>>) target_semaphore(%arg27 : memref<!tpu.dma_semaphore, #tpu.memory_space<semaphore_mem>>)
    %dma_wait3A_139 = arith.constant 0 : i32
    %dma_wait3A_140 = arith.constant 0 : i32
    %dma_wait3A_141 = tpu.memref_slice %arg5[%dma_wait3A_139, %dma_wait3A_140] : memref<200x128xi32, #tpu.memory_space<vmem>> -> memref<1x128xi32, #tpu.memory_space<vmem>>
    %dma_wait3A_142 = tpu.memref_squeeze %dma_wait3A_141 : memref<1x128xi32, #tpu.memory_space<vmem>> -> memref<128xi32, #tpu.memory_space<vmem>>
    %dma_wait3A_143 = arith.constant 0 : i32
    %dma_wait3A_144 = arith.constant 0 : i32
    %dma_wait3A_145 = tpu.memref_slice %arg3[%dma_wait3A_143, %dma_wait3A_144] : memref<1000000x64xf32, #tpu.memory_space<hbm>> -> memref<1000000x64xf32, #tpu.memory_space<hbm>>
    tpu.wait_indirect_dma semaphore(%arg20 : memref<!tpu.dma_semaphore, #tpu.memory_space<semaphore_mem>>) src(%dma_wait3A_145 : memref<1000000x64xf32, #tpu.memory_space<hbm>>) dst(%arg12 : memref<128x64xf32, #tpu.memory_space<vmem>>)
    %add3A_146 = arith.constant 25344 : i32
    %add3A_147 = arith.addi %mul3A_2, %add3A_146 : i32
    %dma_start3A_148 = arith.constant 0 : i32
    %dma_start3A_149 = tpu.memref_slice %arg4[%add3A_147, %dma_start3A_148] : memref<819200x64xf32, #tpu.memory_space<hbm>> -> memref<128x64xf32, #tpu.memory_space<hbm>>
    %dma_start3A_150 = arith.constant 0 : i32
    %dma_start3A_151 = tpu.memref_slice %arg4[%add3A_147, %dma_start3A_150] : memref<819200x64xf32, #tpu.memory_space<hbm>> -> memref<128x64xf32, #tpu.memory_space<hbm>>
    tpu.enqueue_dma source(%arg12 : memref<128x64xf32, #tpu.memory_space<vmem>>) target(%dma_start3A_151 : memref<128x64xf32, #tpu.memory_space<hbm>>) target_semaphore(%arg28 : memref<!tpu.dma_semaphore, #tpu.memory_space<semaphore_mem>>)
    %dma_wait3A_152 = arith.constant 0 : i32
    %dma_wait3A_153 = arith.constant 0 : i32
    %dma_wait3A_154 = tpu.memref_slice %arg5[%dma_wait3A_152, %dma_wait3A_153] : memref<200x128xi32, #tpu.memory_space<vmem>> -> memref<1x128xi32, #tpu.memory_space<vmem>>
    %dma_wait3A_155 = tpu.memref_squeeze %dma_wait3A_154 : memref<1x128xi32, #tpu.memory_space<vmem>> -> memref<128xi32, #tpu.memory_space<vmem>>
    %dma_wait3A_156 = arith.constant 0 : i32
    %dma_wait3A_157 = arith.constant 0 : i32
    %dma_wait3A_158 = tpu.memref_slice %arg3[%dma_wait3A_156, %dma_wait3A_157] : memref<1000000x64xf32, #tpu.memory_space<hbm>> -> memref<1000000x64xf32, #tpu.memory_space<hbm>>
    tpu.wait_indirect_dma semaphore(%arg21 : memref<!tpu.dma_semaphore, #tpu.memory_space<semaphore_mem>>) src(%dma_wait3A_158 : memref<1000000x64xf32, #tpu.memory_space<hbm>>) dst(%arg13 : memref<128x64xf32, #tpu.memory_space<vmem>>)
    %add3A_159 = arith.constant 25472 : i32
    %add3A_160 = arith.addi %mul3A_2, %add3A_159 : i32
    %dma_start3A_161 = arith.constant 0 : i32
    %dma_start3A_162 = tpu.memref_slice %arg4[%add3A_160, %dma_start3A_161] : memref<819200x64xf32, #tpu.memory_space<hbm>> -> memref<128x64xf32, #tpu.memory_space<hbm>>
    %dma_start3A_163 = arith.constant 0 : i32
    %dma_start3A_164 = tpu.memref_slice %arg4[%add3A_160, %dma_start3A_163] : memref<819200x64xf32, #tpu.memory_space<hbm>> -> memref<128x64xf32, #tpu.memory_space<hbm>>
    tpu.enqueue_dma source(%arg13 : memref<128x64xf32, #tpu.memory_space<vmem>>) target(%dma_start3A_164 : memref<128x64xf32, #tpu.memory_space<hbm>>) target_semaphore(%arg29 : memref<!tpu.dma_semaphore, #tpu.memory_space<semaphore_mem>>)
    %dma_wait3A_165 = arith.constant 0 : i32
    %dma_wait3A_166 = tpu.memref_slice %arg4[%mul3A_2, %dma_wait3A_165] : memref<819200x64xf32, #tpu.memory_space<hbm>> -> memref<128x64xf32, #tpu.memory_space<hbm>>
    %dma_wait3A_167 = arith.constant 0 : i32
    %dma_wait3A_168 = tpu.memref_slice %arg4[%mul3A_2, %dma_wait3A_167] : memref<819200x64xf32, #tpu.memory_space<hbm>> -> memref<128x64xf32, #tpu.memory_space<hbm>>
    tpu.wait_dma2 semaphore(%arg22 : memref<!tpu.dma_semaphore, #tpu.memory_space<semaphore_mem>>) src(%arg6 : memref<128x64xf32, #tpu.memory_space<vmem>>) dst(%dma_wait3A_168 : memref<128x64xf32, #tpu.memory_space<hbm>>)
    %dma_wait3A_169 = arith.constant 0 : i32
    %dma_wait3A_170 = tpu.memref_slice %arg4[%mul3A_2, %dma_wait3A_169] : memref<819200x64xf32, #tpu.memory_space<hbm>> -> memref<128x64xf32, #tpu.memory_space<hbm>>
    %dma_wait3A_171 = arith.constant 0 : i32
    %dma_wait3A_172 = tpu.memref_slice %arg4[%mul3A_2, %dma_wait3A_171] : memref<819200x64xf32, #tpu.memory_space<hbm>> -> memref<128x64xf32, #tpu.memory_space<hbm>>
    tpu.wait_dma2 semaphore(%arg23 : memref<!tpu.dma_semaphore, #tpu.memory_space<semaphore_mem>>) src(%arg7 : memref<128x64xf32, #tpu.memory_space<vmem>>) dst(%dma_wait3A_172 : memref<128x64xf32, #tpu.memory_space<hbm>>)
    %dma_wait3A_173 = arith.constant 0 : i32
    %dma_wait3A_174 = tpu.memref_slice %arg4[%mul3A_2, %dma_wait3A_173] : memref<819200x64xf32, #tpu.memory_space<hbm>> -> memref<128x64xf32, #tpu.memory_space<hbm>>
    %dma_wait3A_175 = arith.constant 0 : i32
    %dma_wait3A_176 = tpu.memref_slice %arg4[%mul3A_2, %dma_wait3A_175] : memref<819200x64xf32, #tpu.memory_space<hbm>> -> memref<128x64xf32, #tpu.memory_space<hbm>>
    tpu.wait_dma2 semaphore(%arg24 : memref<!tpu.dma_semaphore, #tpu.memory_space<semaphore_mem>>) src(%arg8 : memref<128x64xf32, #tpu.memory_space<vmem>>) dst(%dma_wait3A_176 : memref<128x64xf32, #tpu.memory_space<hbm>>)
    %dma_wait3A_177 = arith.constant 0 : i32
    %dma_wait3A_178 = tpu.memref_slice %arg4[%mul3A_2, %dma_wait3A_177] : memref<819200x64xf32, #tpu.memory_space<hbm>> -> memref<128x64xf32, #tpu.memory_space<hbm>>
    %dma_wait3A_179 = arith.constant 0 : i32
    %dma_wait3A_180 = tpu.memref_slice %arg4[%mul3A_2, %dma_wait3A_179] : memref<819200x64xf32, #tpu.memory_space<hbm>> -> memref<128x64xf32, #tpu.memory_space<hbm>>
    tpu.wait_dma2 semaphore(%arg25 : memref<!tpu.dma_semaphore, #tpu.memory_space<semaphore_mem>>) src(%arg9 : memref<128x64xf32, #tpu.memory_space<vmem>>) dst(%dma_wait3A_180 : memref<128x64xf32, #tpu.memory_space<hbm>>)
    %dma_wait3A_181 = arith.constant 0 : i32
    %dma_wait3A_182 = tpu.memref_slice %arg4[%mul3A_2, %dma_wait3A_181] : memref<819200x64xf32, #tpu.memory_space<hbm>> -> memref<128x64xf32, #tpu.memory_space<hbm>>
    %dma_wait3A_183 = arith.constant 0 : i32
    %dma_wait3A_184 = tpu.memref_slice %arg4[%mul3A_2, %dma_wait3A_183] : memref<819200x64xf32, #tpu.memory_space<hbm>> -> memref<128x64xf32, #tpu.memory_space<hbm>>
    tpu.wait_dma2 semaphore(%arg26 : memref<!tpu.dma_semaphore, #tpu.memory_space<semaphore_mem>>) src(%arg10 : memref<128x64xf32, #tpu.memory_space<vmem>>) dst(%dma_wait3A_184 : memref<128x64xf32, #tpu.memory_space<hbm>>)
    %dma_wait3A_185 = arith.constant 0 : i32
    %dma_wait3A_186 = tpu.memref_slice %arg4[%mul3A_2, %dma_wait3A_185] : memref<819200x64xf32, #tpu.memory_space<hbm>> -> memref<128x64xf32, #tpu.memory_space<hbm>>
    %dma_wait3A_187 = arith.constant 0 : i32
    %dma_wait3A_188 = tpu.memref_slice %arg4[%mul3A_2, %dma_wait3A_187] : memref<819200x64xf32, #tpu.memory_space<hbm>> -> memref<128x64xf32, #tpu.memory_space<hbm>>
    tpu.wait_dma2 semaphore(%arg27 : memref<!tpu.dma_semaphore, #tpu.memory_space<semaphore_mem>>) src(%arg11 : memref<128x64xf32, #tpu.memory_space<vmem>>) dst(%dma_wait3A_188 : memref<128x64xf32, #tpu.memory_space<hbm>>)
    %dma_wait3A_189 = arith.constant 0 : i32
    %dma_wait3A_190 = tpu.memref_slice %arg4[%mul3A_2, %dma_wait3A_189] : memref<819200x64xf32, #tpu.memory_space<hbm>> -> memref<128x64xf32, #tpu.memory_space<hbm>>
    %dma_wait3A_191 = arith.constant 0 : i32
    %dma_wait3A_192 = tpu.memref_slice %arg4[%mul3A_2, %dma_wait3A_191] : memref<819200x64xf32, #tpu.memory_space<hbm>> -> memref<128x64xf32, #tpu.memory_space<hbm>>
    tpu.wait_dma2 semaphore(%arg28 : memref<!tpu.dma_semaphore, #tpu.memory_space<semaphore_mem>>) src(%arg12 : memref<128x64xf32, #tpu.memory_space<vmem>>) dst(%dma_wait3A_192 : memref<128x64xf32, #tpu.memory_space<hbm>>)
    %dma_wait3A_193 = arith.constant 0 : i32
    %dma_wait3A_194 = tpu.memref_slice %arg4[%mul3A_2, %dma_wait3A_193] : memref<819200x64xf32, #tpu.memory_space<hbm>> -> memref<128x64xf32, #tpu.memory_space<hbm>>
    %dma_wait3A_195 = arith.constant 0 : i32
    %dma_wait3A_196 = tpu.memref_slice %arg4[%mul3A_2, %dma_wait3A_195] : memref<819200x64xf32, #tpu.memory_space<hbm>> -> memref<128x64xf32, #tpu.memory_space<hbm>>
    tpu.wait_dma2 semaphore(%arg29 : memref<!tpu.dma_semaphore, #tpu.memory_space<semaphore_mem>>) src(%arg13 : memref<128x64xf32, #tpu.memory_space<vmem>>) dst(%dma_wait3A_196 : memref<128x64xf32, #tpu.memory_space<hbm>>)
    return
  }
}

</mosaic_0001>

<sc_bundles>
// kernel: kernel.3.cloned.1.call-start
scs
__scs_entry_jumppad:
0x0: {  	(pc) =	sbr.rel $0x88, $3  }
0x1: {  	(tag) =	ssettag $0x0;
	lr =	simm.s32 $0x1  }
0x2: {  	[smem:$0x3F9F] =	sst lr;
	_ =	strace $0xD0000000  }
0x3: {  	_ = 	snop  }
0x4: {  	_ = 	snop  }
0x5: {  	_ = 	snop  }
0x6: {  	_ = 	snop  }
0x7: {  	_ = 	snop  }
__scs_overlays_trampoline_lowered:
0x8: {  	[smem:$0x3FAE] =	sst s0  }
0x9: {  	[smem:$0x3FAF] =	sst s1  }
0xa: {  	[smem:$0x3FB0] =	sst s2  }
0xb: {  	[smem:$0x3FB1] =	sst s3  }
0xc: {  	[smem:$0x3FB2] =	sst s4  }
0xd: {  	[smem:$0x3FB3] =	sst s5  }
0xe: {  	[smem:$0x3FB4] =	sst s6  }
0xf: {  	[smem:$0x3FB5] =	sst s7  }
0x10: {  	[smem:$0x3FB6] =	sst s8  }
0x11: {  	[smem:$0x3FB7] =	sst s9;
	s0 =	simm.s32 @!p0 $0x0  }
0x12: {  	s1 =	sld [smem:$0x3F9D];
	s0 =	simm.s32 @p0 $0x1  }
0x13: {  	[smem:$0x3FB8] =	sst s0;
	s0 =	simm.s32 @!p1 $0x0  }
0x14: {  	s2 =	sld [smem:$0x3F9C];
	s0 =	simm.s32 @p1 $0x1  }
0x15: {  	[smem:$0x3FB9] =	sst s0;
	s0 =	simm.s32 @!p2 $0x0  }
0x16: {  	s3 =	sld [smem:$0x3FDB];
	s0 =	simm.s32 @p2 $0x1  }
0x17: {  	s4 =	simm.s32 $0x1BF5;
	[smem:$0x3FBB] =	sst s0  }
0x18: {  	s0 =	sld [smem:$0x3F9E];
	_ =	swait.ge [sflag:s4], $0x0  }
0x19: {  	s7 =	sld [smem:$0x3F9F]  }
0x1a: {  	s8 =	sadd.s32 $0xFFFFE003, lr  }
0x1b: {  	s9 =	sadd.s32 $0xFFFFFEF7, lr;
	s5 =	simm.s32 $0xFFFFFFFF;
	p2 =	slt.u32 s8, $0xFFFFF086  }
0x1c: {  	p1 =	slt.u32 s9, $0xF7A;
	s5 =	simm.s32 @!p2 $0x0  }
0x1d: {  	s5 =	simm.s32 @p1 $0x1;
	p0 =	seq.s32 s7, s2  }
0x1e: {  	s7 =	smul.u32 @!p0 $0xF7A, s2;
	p2 =	seq.s32 @!p0 s5, $0x0  }
0x1f: {  	s9 =	smul.u32 $0xF7A, s1;
	s8 =	simm.s32 @!p0 $0x1BF5;
	p2 =	por !p2, p0  }
0x20: {  	[sflag:s8] =	ssyncset.s32 @!p0 $0xFFFFF086;
	s6 =	sadd.s32 @!p0 s3, s7;
	s7 =	simm.s32 @!p0 $0x108  }
0x21: {  	s3 =	sadd.s32 s3, s9;
	s6 =	sadd.s32 @!p0 $0x88, s6;
	s7 =	simm.s32 @p2 $0x1082  }
0x22: {  	[simem:s7], [sflag:s8] =	dma.local @!p0 [hbm:s6], $0xF7A  }
0x23: {  	s9 =	sor.u32 $0xD0000000, s2;
	s6 =	simm.s32 $0x108;
	_ =	swait.ge @!p0 [sflag:s8], $0x0  }
0x24: {  	s3 =	sadd.s32 $0x88, s3;
	s6 =	simm.s32 @!p1 $0x1082;
	[sflag:s4] =	ssyncset.s32 $0xFFFFF086  }
0x25: {  	[simem:s6], [sflag:s4] =	dma.local [hbm:s3], $0xF7A  }
0x26: {  	[smem:$0x3F9F] =	sst s1;
	(tag) =	ssettag s2;
	_ =	strace s9  }
0x27: {  	s1 =	sld [smem:$0x3FAF]  }
0x28: {  	s2 =	sld [smem:$0x3FB0]  }
0x29: {  	s4 =	sld [smem:$0x3FB2]  }
0x2a: {  	p0 =	seq.s32 s5, $0x0;
	s5 =	sld [smem:$0x3FB3]  }
0x2b: {  	s6 =	sld [smem:$0x3FB4]  }
0x2c: {  	s7 =	sld [smem:$0x3FB5]  }
0x2d: {  	s3 =	simm.s32 $0x108;
	s8 =	sld [smem:$0x3FB6]  }
0x2e: {  	s3 =	simm.s32 @!p0 $0x1082;
	s9 =	sld [smem:$0x3FB7]  }
0x2f: {  	lr =	sadd.s32 s0, s3;
	s0 =	sld [smem:$0x3FAE]  }
0x30: {  	s3 =	sld [smem:$0x3FB1]  }
0x31: {  	[smem:$0x3FBA] =	sst s10  }
0x32: {  	s10 =	sld [smem:$0x3FB8];
	_ =	sdelay $0x3  }
0x33: {  	p0 =	seq.s32 s10, $0x1;
	s10 =	sld [smem:$0x3FBA];
	_ =	sdelay $0x3  }
0x34: {  	[smem:$0x3FBA] =	sst s10  }
0x35: {  	s10 =	sld [smem:$0x3FB9];
	_ =	sdelay $0x3  }
0x36: {  	p1 =	seq.s32 s10, $0x1;
	s10 =	sld [smem:$0x3FBA];
	_ =	sdelay $0x3  }
0x37: {  	[smem:$0x3FBA] =	sst s10  }
0x38: {  	s10 =	sld [smem:$0x3FBB]  }
0x39: {  	_ = 	snop;
	(pc) =	sbr.ind lr, $3  }
0x3a: {  	_ = 	snop  }
0x3b: {  	_ = 	snop  }
0x3c: {  	p2 =	seq.s32 s10, $0x1;
	s10 =	sld [smem:$0x3FBA]  }
0x3d: {  	_ =	shalt  }
0x3e: {  	_ =	shalt  }
0x3f: {  	_ =	shalt  }
0x40: {  	_ =	shalt  }
0x41: {  	_ =	shalt  }
0x42: {  	_ =	shalt  }
0x43: {  	_ =	shalt  }
0x44: {  	_ =	shalt  }
0x45: {  	_ =	shalt  }
0x46: {  	_ =	shalt  }
0x47: {  	_ =	shalt  }
0x48: {  	_ =	shalt  }
0x49: {  	_ =	shalt  }
0x4a: {  	_ =	shalt  }
0x4b: {  	_ =	shalt  }
0x4c: {  	_ =	shalt  }
0x4d: {  	_ =	shalt  }
0x4e: {  	_ =	shalt  }
0x4f: {  	_ =	shalt  }
0x50: {  	_ =	shalt  }
0x51: {  	_ =	shalt  }
0x52: {  	_ =	shalt  }
0x53: {  	_ =	shalt  }
0x54: {  	_ =	shalt  }
0x55: {  	_ =	shalt  }
0x56: {  	_ =	shalt  }
0x57: {  	_ =	shalt  }
0x58: {  	_ =	shalt  }
0x59: {  	_ =	shalt  }
0x5a: {  	_ =	shalt  }
0x5b: {  	_ =	shalt  }
0x5c: {  	_ =	shalt  }
0x5d: {  	_ =	shalt  }
0x5e: {  	_ =	shalt  }
0x5f: {  	_ =	shalt  }
0x60: {  	_ =	shalt  }
0x61: {  	_ =	shalt  }
0x62: {  	_ =	shalt  }
0x63: {  	_ =	shalt  }
0x64: {  	_ =	shalt  }
0x65: {  	_ =	shalt  }
0x66: {  	_ =	shalt  }
0x67: {  	_ =	shalt  }
0x68: {  	_ =	shalt  }
0x69: {  	_ =	shalt  }
0x6a: {  	_ =	shalt  }
0x6b: {  	_ =	shalt  }
0x6c: {  	_ =	shalt  }
0x6d: {  	_ =	shalt  }
0x6e: {  	_ =	shalt  }
0x6f: {  	_ =	shalt  }
0x70: {  	_ =	shalt  }
0x71: {  	_ =	shalt  }
0x72: {  	_ =	shalt  }
0x73: {  	_ =	shalt  }
0x74: {  	_ =	shalt  }
0x75: {  	_ =	shalt  }
0x76: {  	_ =	shalt  }
0x77: {  	_ =	shalt  }
0x78: {  	_ =	shalt  }
0x79: {  	_ =	shalt  }
0x7a: {  	_ =	shalt  }
0x7b: {  	_ =	shalt  }
0x7c: {  	_ =	shalt  }
0x7d: {  	_ =	shalt  }
0x7e: {  	_ =	shalt  }
0x7f: {  	_ =	shalt  }
0x80: {  	_ =	shalt  }
0x81: {  	_ =	shalt  }
0x82: {  	_ =	shalt  }
0x83: {  	_ =	shalt  }
0x84: {  	_ =	shalt  }
0x85: {  	_ =	shalt  }
0x86: {  	_ =	shalt  }
0x87: {  	_ =	shalt  }
.Lfunc_end0:
.L_simem_size_0:
called_computation.1_lowered:
.L_overlay_start_0:
0x88: {  	s2 =	sld [smem:$0x3FD9]  }
0x89: {  	s3 =	sld [smem:$0x3FFE];
	_ =	sdelay $0x1  }
0x8a: {  	s1 =	srdreg.scid  }
0x8b: {  	s0 =	sand.u32 $0x1, s1  }
0x8c: {  	s17 =	sshll.u32 s0, $0xA;
	s2 =	sadd.s32 s3, s2  }
0x8d: {  	s2 =	sadd.s32 s2, s17  }
0x8e: {  	[smem:$0x3FC6] =	sst s2  }
0x8f: {  	_ = 	snop  }
0x90: {  	s2 =	sld [smem:$0x3FD0];
	(tm) =	ssettm $0x1  }
0x91: {  	s18 =	sld [smem:$0x3FFB];
	_ =	sdelay $0x3  }
0x92: {  	_ =	strace s18  }
0x93: {  	s3 =	sld [smem:$0x3FFC];
	_ =	sdelay $0x3  }
0x94: {  	_ =	strace s3  }
0x95: {  	s3 =	sld [smem:$0x3FFD];
	_ =	sdelay $0x3  }
0x96: {  	_ =	strace s3  }
0x97: {  	_ =	strace $0x8FFFFFFF  }
0x98: {  	s19 =	sld [smem:$0x3FDB];
	_ =	sdelay $0x1  }
0x99: {  	s4 =	simm.s32 $_scs_section_size  }
0x9a: {  	s5 =	simm.s32 $_size__tile_overlayer_lowered;
	s6 =	simm.s32 $_tile_overlayer_lowered  }
0x9b: {  	s22 =	simm.s32 $0x1BFF;
	s21 =	sshll.u32 s6, $0x1;
	s3 =	sadd.s32 s4, s19  }
0x9c: {  	s7 =	simm.s32 $0x0;
	s20 =	sshll.u32 s5, $0x1;
	s5 =	sadd.s32 s21, s3  }
0x9d: {  	[timem:s7], [sflag:s22] =	dma.local [hbm:s5], s20  }
0x9e: {  	_ =	swait.ge [sflag:s22], s20  }
0x9f: {  	s4 =	ssub.s32 $0x0, s20;
	[sflag:s22] =	ssyncset.done $0x0  }
0xa0: {  	[sflag:s22] =	ssyncadd.s32 s4;
	_ =	sdelay $0x1  }
0xa1: {  	s23 =	simm.s32 $0x1B8B  }
0xa2: {  	_ =	swait.ge [sflag:s23], $0x1  }
0xa3: {  	[sflag:s23] =	ssyncset.done $0x0  }
0xa4: {  	s25 =	simm.s32 $0x1B8E;
	s24 =	sld [smem:$0x3FFE];
	[sflag:s23] =	ssyncadd.s32 $0xFFFFFFFF  }
0xa5: {  	s26 =	simm.s32 $execute0_lowered;
	[smem:$0x3FD2] =	sst s25  }
0xa6: {  	s5 =	sshll.u32 s26, $0x1;
	_ =	strace $0x80000046;
	[dreg:$0x1] =	wrdreg $0xFFFFFFFF  }
0xa7: {  	s28 =	simm.s32 $_size_execute0_lowered;
	s3 =	sadd.s32 s3, s5;
	[dreg:$0x0] =	wrdreg $0x0  }
0xa8: {  	s5 =	sshll.u32 s28, $0x1;
	[dreg:$0x2] =	wrdreg s3  }
0xa9: {  	[dreg:$0x3] =	wrdreg s5  }
0xaa: {  	[dreg:$0x4] =	wrdreg $0xC0  }
0xab: {  	_ =	task [dreg:s7], $0x5FFFF  }
0xac: {  	[dreg:$0x1] =	wrdreg $0xFFFFFFFF  }
0xad: {  	[dreg:$0x0] =	wrdreg $0x60  }
0xae: {  	[dreg:$0x2] =	wrdreg s24  }
0xaf: {  	[dreg:$0x3] =	wrdreg s2  }
0xb0: {  	[dreg:$0x4] =	wrdreg $0x9  }
0xb1: {  	_ =	task.clear_ibuf [dreg:s7], $0x5FFFF;
	_ =	strace $0x90000046  }
0xb2: {  	s29 =	simm.s32 $0x9;
	_ =	strace $0x80000048  }
0xb3: {  	_ =	swait.ge [sflag:s29], $0x1  }
0xb4: {  	[sflag:s29] =	ssyncadd.s32 $0xFFFFFFFF  }
0xb5: {  	_ =	strace $0x90000048  }
0xb6: {  	_ =	sfence  }
0xb7: {  	s30 =	sld [smem:$0x0];
	_ =	sdelay $0x2  }
0xb8: {  	s31 =	sshll.u32 s1, $0xD;
	s1 =	sshrl.u32 s1, $0x2  }
0xb9: {  	s3 =	sand.u32 $0x4000, s31;
	s1 =	sadd.s32 s1, s30  }
0xba: {  	s0 =	sor.u32 s3, s0;
	s1 =	sshll.u32 s1, $0x11  }
0xbb: {  	s0 =	sor.u32 s1, s0  }
0xbc: {  	s0 =	sadd.s32 $0x8F2B, s0  }
0xbd: {  	[sflag:s0] =	ssyncadd.remote.s32 $0x1  }
0xbe: {  	_ =	sfence.sel $0xFFFF  }
0xbf: {  	[dreg:$0x0] =	wrdreg $0xFFFFFFFF;
	(pc) =	sbr.abs _section_cstart, $3  }
0xc0: {  	[dreg:$0x1] =	wrdreg $0xFFFFFFFF  }
0xc1: {  	_ =	task.clear_ibuf [dreg:s7], $0x2FFFF;
	_ =	strace $0x9FFFFFFF  }
0xc2: {  	(tm) =	ssettm $0x7FFFFFFF  }
0xc3: {  	_ =	shalt  }
tec
execute0_lowered:
.L_overlay_start_1:
0x0: {  	(tag) =	ssettag $0x1  }
0x1: {  	s0 =	srdreg.scid  }
0x2: {  	s10 =	stileid.u32;
	s1 =	rddreg [dreg:$0x0]  }
0x3: {  	s19 =	rddreg [dreg:$0x1];
	s3 =	simm.s32 $0x0;
	s8 =	smul.u32 $0xC800, s10  }
0x4: {  	s28 =	simm.s32 $0x4;
	s0 =	sand.u32 $0x1, s0;
	s22 =	smul.u32 $0x320000, s10  }
0x5: {  	s31 =	simm.s32 $0x5;
	s2 =	sshll.u32 s10, $0x1;
	s9 =	smul.u32 $0x6400, s0  }
0x6: {  	s2 =	sor.u32 s0, s2;
	s7 =	ssub.s32 $0x2, s0;
	s0 =	smul.u32 $0x190000, s0  }
0x7: {  	s30 =	simm.s32 $0x1;
	s29 =	simm.s32 $0xC400;
	s4 =	smul.u32 $0x6400, s2  }
0x8: {  	[smem:$0x7FF] =	sst s3;
	s10 =	simm.s32 $0x8;
	s5 =	smul.u32 $0x32000, s2  }
0x9: {  	_ =	strace $0x80000047;
	s2 =	smul.u32 $0x190000, s2;
	s11 =	sshrl.u32 s7, $0x1  }
0xa: {  	s13 =	sadd.s32 s9, s8;
	s0 =	sadd.s32 s0, s22;
	s22 =	simm.s32 $0x1  }
0xb: {  	s8 =	simm.s32 $0x7;
	s9 =	simm.s32 $0xC;
	s12 =	sadd.s32 s19, s5  }
0xc: {  	s4 =	sshrl.u32 s4, $0x3;
	s0 =	sadd.s32 $0x10000, s0;
	[dreg:$0xb] =	wrdreg s12  }
0xd: {  	s2 =	sshrl.u32 s2, $0x3;
	s5 =	sadd.s32 $0x400, s12;
	[dreg:$0x14] =	wrdreg s0  }
0xe: {  	s6 =	sadd.s32 s4, s1;
	s14 =	sadd.s32 $0x800, s12;
	[dreg:$0xc] =	wrdreg s5  }
0xf: {  	s2 =	sadd.s32 s19, s2;
	s6 =	sadd.s32 $0xA00, s6;
	[dreg:$0xd] =	wrdreg s14  }
0x10: {  	s4 =	sadd.s32 $0xF42E00, s1;
	s15 =	sadd.s32 $0x31000, s2;
	[dreg:$0xa] =	wrdreg s6  }
0x11: {  	s1 =	ssub.s32 s7, s11;
	s17 =	sadd.s32 $0x31400, s2;
	[dreg:$0xf] =	wrdreg s15  }
0x12: {  	s0 =	simm.s32 $0x3;
	s20 =	sadd.s32 $0x31800, s2;
	[dreg:$0x10] =	wrdreg s17  }
0x13: {  	s7 =	simm.s32 $0xB;
	s2 =	sadd.s32 $0x31C00, s2;
	[dreg:$0x11] =	wrdreg s20  }
0x14: {  	s11 =	simm.s32 $0xD;
	s1 =	smax.u32 s1, $0x1;
	[dreg:$0x12] =	wrdreg s2  }
0x15: {  	s5 =	sshll.u32 s13, $0x3;
	s6 =	sadd.s32 $0xC00, s12;
	[dreg:$0x13] =	wrdreg s1  }
0x16: {  	s13 =	simm.s32 $0xF;
	s16 =	sor.u32 $0x1C00, s5;
	[dreg:$0xe] =	wrdreg s6  }
0x17: {  	s14 =	simm.s32 $0x10;
	s18 =	sor.u32 $0x1800, s5;
	[dreg:$0x3] =	wrdreg s16  }
0x18: {  	s21 =	sor.u32 $0x1400, s5;
	s23 =	sor.u32 $0x1000, s5;
	[dreg:$0x4] =	wrdreg s18  }
0x19: {  	s24 =	sadd.s32 $0x2C00, s5;
	s25 =	sadd.s32 $0x2800, s5;
	[dreg:$0x5] =	wrdreg s21  }
0x1a: {  	s26 =	sadd.s32 $0x2400, s5;
	s17 =	simm.s32 $0x80;
	[dreg:$0x6] =	wrdreg s23  }
0x1b: {  	s15 =	simm.s32 $0x6400;
	s20 =	simm.s32 $0xA;
	[dreg:$0x7] =	wrdreg s24  }
0x1c: {  	s5 =	simm.s32 $0x6;
	s12 =	simm.s32 $0xE;
	[dreg:$0x8] =	wrdreg s25  }
0x1d: {  	s1 =	simm.s32 $0x0;
	[dreg:$0x9] =	wrdreg s26;
	s16 =	simm.s32 $0x8400  }
0x1e: {  	s18 =	simm.s32 $0xA400;
	s26 =	simm.s32 $0x2;
	s25 =	simm.s32 $0xA400  }
.LBB2_1:
0x1f: {  	[dreg:$0x15] =	wrdreg s1  }
0x20: {  	s2 =	rddreg [dreg:$0xa];
	s24 =	simm.s32 $0x11  }
0x21: {  	[tilespmem:s3], [sflag:$0x11] =	stream.linear.gather [hbm4b:s2+s3], $0x6400, $0x38;
	[tilespmem:$0x16400] =	vst v63  }
0x22: {  	_ =	swait.ge [sflag:s24], $0x6400  }
0x23: {  	[sflag:s24] =	ssyncset.done $0x0  }
0x24: {  	[sflag:s24] =	ssyncadd.s32 $0xFFFF9C00  }
0x25: {  	[tilespmem:s15], [sflag:$0x1] =	stream.indirect.gather [hbm4b:s4+s17], $0x40, s3, s17, $0xb8;
	[tilespmem:$0x16400] =	vst v63  }
0x26: {  	_ = 	snop  }
0x27: {  	[tilespmem:s16], [sflag:$0x2] =	stream.indirect.gather [hbm4b:s4+s17], $0x40, s17, s17, $0xb8;
	[tilespmem:$0x16400] =	vst v63  }
0x28: {  	s1 =	simm.s32 $0x100  }
0x29: {  	[tilespmem:s18], [sflag:$0x3] =	stream.indirect.gather [hbm4b:s4+s17], $0x40, s1, s17, $0xb8;
	[tilespmem:$0x16400] =	vst v63  }
0x2a: {  	s6 =	simm.s32 $0x180;
	s1 =	simm.s32 $0xC400  }
0x2b: {  	[tilespmem:s1], [sflag:$0x4] =	stream.indirect.gather [hbm4b:s4+s17], $0x40, s6, s17, $0xb8;
	[tilespmem:$0x16400] =	vst v63  }
0x2c: {  	s21 =	simm.s32 $0x200;
	s6 =	simm.s32 $0xE400  }
0x2d: {  	[tilespmem:s6], [sflag:$0x5] =	stream.indirect.gather [hbm4b:s4+s17], $0x40, s21, s17, $0xb8;
	[tilespmem:$0x16400] =	vst v63  }
0x2e: {  	_ =	swait.ge [sflag:s22], $0x2000  }
0x2f: {  	[sflag:s22] =	ssyncset.done $0x0  }
0x30: {  	s23 =	rddreg [dreg:$0xb];
	[sflag:s22] =	ssyncadd.s32 $0xFFFFE000  }
0x31: {  	[hbm4b:s23+s3] =	stream.linear.scatter [tilespmem:s15], [sflag:$0x9], $0x2000, $0x38;
	[tilespmem:$0x16400] =	vst v63  }
0x32: {  	s24 =	simm.s32 $0x280;
	s21 =	simm.s32 $0x10400  }
0x33: {  	[tilespmem:s21], [sflag:$0x6] =	stream.indirect.gather [hbm4b:s4+s17], $0x40, s24, s17, $0xb8;
	[tilespmem:$0x16400] =	vst v63  }
0x34: {  	_ =	swait.ge [sflag:s26], $0x2000  }
0x35: {  	[sflag:s26] =	ssyncset.done $0x0  }
0x36: {  	s23 =	rddreg [dreg:$0xc];
	[sflag:s26] =	ssyncadd.s32 $0xFFFFE000  }
0x37: {  	[hbm4b:s23+s3] =	stream.linear.scatter [tilespmem:s16], [sflag:$0xA], $0x2000, $0x38;
	[tilespmem:$0x16400] =	vst v63  }
0x38: {  	s24 =	simm.s32 $0x300;
	s23 =	simm.s32 $0x12400  }
0x39: {  	[tilespmem:s23], [sflag:$0x7] =	stream.indirect.gather [hbm4b:s4+s17], $0x40, s24, s17, $0xb8;
	[tilespmem:$0x16400] =	vst v63  }
0x3a: {  	_ =	swait.ge [sflag:s0], $0x2000  }
0x3b: {  	[sflag:s0] =	ssyncset.done $0x0  }
0x3c: {  	s24 =	rddreg [dreg:$0xd];
	[sflag:s0] =	ssyncadd.s32 $0xFFFFE000  }
0x3d: {  	[hbm4b:s24+s3] =	stream.linear.scatter [tilespmem:s18], [sflag:$0xB], $0x2000, $0x38;
	[tilespmem:$0x16400] =	vst v63  }
0x3e: {  	s2 =	simm.s32 $0x380;
	s24 =	simm.s32 $0x14400  }
0x3f: {  	[tilespmem:s24], [sflag:$0x8] =	stream.indirect.gather [hbm4b:s4+s17], $0x40, s2, s17, $0xb8;
	[tilespmem:$0x16400] =	vst v63  }
0x40: {  	_ =	swait.ge [sflag:s28], $0x2000  }
0x41: {  	[sflag:s28] =	ssyncset.done $0x0  }
0x42: {  	s2 =	rddreg [dreg:$0xe];
	[sflag:s28] =	ssyncadd.s32 $0xFFFFE000  }
0x43: {  	[hbm4b:s2+s3] =	stream.linear.scatter [tilespmem:s1], [sflag:$0xC], $0x2000, $0x38;
	[tilespmem:$0x16400] =	vst v63  }
0x44: {  	s2 =	simm.s32 $0x9  }
0x45: {  	_ =	swait.ge [sflag:s2], $0x2000  }
0x46: {  	[sflag:s2] =	ssyncset.done $0x0  }
0x47: {  	[sflag:s2] =	ssyncadd.s32 $0xFFFFE000;
	s2 =	simm.s32 $0x400  }
0x48: {  	[tilespmem:s15], [sflag:$0x1] =	stream.indirect.gather [hbm4b:s4+s17], $0x40, s2, s17, $0xb8;
	[tilespmem:$0x16400] =	vst v63  }
0x49: {  	_ =	swait.ge [sflag:s31], $0x2000  }
0x4a: {  	s2 =	rddreg [dreg:$0x6];
	[sflag:s31] =	ssyncset.done $0x0  }
0x4b: {  	[sflag:s31] =	ssyncadd.s32 $0xFFFFE000;
	s2 =	sadd.s32 s19, s2  }
0x4c: {  	[hbm4b:s2+s3] =	stream.linear.scatter [tilespmem:s6], [sflag:$0xD], $0x2000, $0x38;
	[tilespmem:$0x16400] =	vst v63  }
0x4d: {  	_ =	swait.ge [sflag:s20], $0x2000  }
0x4e: {  	[sflag:s20] =	ssyncset.done $0x0  }
0x4f: {  	s2 =	simm.s32 $0x480;
	[sflag:s20] =	ssyncadd.s32 $0xFFFFE000  }
0x50: {  	[tilespmem:s16], [sflag:$0x2] =	stream.indirect.gather [hbm4b:s4+s17], $0x40, s2, s17, $0xb8;
	[tilespmem:$0x16400] =	vst v63  }
0x51: {  	_ =	swait.ge [sflag:s5], $0x2000  }
0x52: {  	s2 =	rddreg [dreg:$0x5];
	[sflag:s5] =	ssyncset.done $0x0  }
0x53: {  	[sflag:s5] =	ssyncadd.s32 $0xFFFFE000;
	s2 =	sadd.s32 s19, s2  }
0x54: {  	[hbm4b:s2+s3] =	stream.linear.scatter [tilespmem:s21], [sflag:$0xE], $0x2000, $0x38;
	[tilespmem:$0x16400] =	vst v63  }
0x55: {  	_ =	swait.ge [sflag:s7], $0x2000  }
0x56: {  	[sflag:s7] =	ssyncset.done $0x0  }
0x57: {  	s2 =	simm.s32 $0x500;
	[sflag:s7] =	ssyncadd.s32 $0xFFFFE000  }
0x58: {  	[tilespmem:s18], [sflag:$0x3] =	stream.indirect.gather [hbm4b:s4+s17], $0x40, s2, s17, $0xb8;
	[tilespmem:$0x16400] =	vst v63  }
0x59: {  	_ =	swait.ge [sflag:s8], $0x2000  }
0x5a: {  	s2 =	rddreg [dreg:$0x4];
	[sflag:s8] =	ssyncset.done $0x0  }
0x5b: {  	[sflag:s8] =	ssyncadd.s32 $0xFFFFE000;
	s2 =	sadd.s32 s19, s2  }
0x5c: {  	[hbm4b:s2+s3] =	stream.linear.scatter [tilespmem:s23], [sflag:$0xF], $0x2000, $0x38;
	[tilespmem:$0x16400] =	vst v63  }
0x5d: {  	_ =	swait.ge [sflag:s9], $0x2000  }
0x5e: {  	[sflag:s9] =	ssyncset.done $0x0  }
0x5f: {  	s2 =	simm.s32 $0x580;
	[sflag:s9] =	ssyncadd.s32 $0xFFFFE000  }
0x60: {  	[tilespmem:s1], [sflag:$0x4] =	stream.indirect.gather [hbm4b:s4+s17], $0x40, s2, s17, $0xb8;
	[tilespmem:$0x16400] =	vst v63  }
0x61: {  	_ =	swait.ge [sflag:s10], $0x2000  }
0x62: {  	s1 =	rddreg [dreg:$0x3];
	[sflag:s10] =	ssyncset.done $0x0  }
0x63: {  	[sflag:s10] =	ssyncadd.s32 $0xFFFFE000;
	s2 =	sadd.s32 s19, s1  }
0x64: {  	[hbm4b:s2+s3] =	stream.linear.scatter [tilespmem:s24], [sflag:$0x10], $0x2000, $0x38;
	[tilespmem:$0x16400] =	vst v63  }
0x65: {  	_ =	swait.ge [sflag:s11], $0x2000  }
0x66: {  	[sflag:s11] =	ssyncset.done $0x0  }
0x67: {  	s1 =	simm.s32 $0x600;
	[sflag:s11] =	ssyncadd.s32 $0xFFFFE000  }
0x68: {  	[tilespmem:s6], [sflag:$0x5] =	stream.indirect.gather [hbm4b:s4+s17], $0x40, s1, s17, $0xb8;
	[tilespmem:$0x16400] =	vst v63  }
0x69: {  	_ =	swait.ge [sflag:s22], $0x2000  }
0x6a: {  	s6 =	rddreg [dreg:$0x14]  }
0x6b: {  	[sflag:s22] =	ssyncset.done $0x0;
	s1 =	sshrl.u32 s6, $0x3  }
0x6c: {  	[sflag:s22] =	ssyncadd.s32 $0xFFFFE000;
	s2 =	sadd.s32 s19, s1  }
0x6d: {  	[hbm4b:s2+s3] =	stream.linear.scatter [tilespmem:s15], [sflag:$0x9], $0x2000, $0x38;
	[tilespmem:$0x16400] =	vst v63  }
0x6e: {  	_ =	swait.ge [sflag:s12], $0x2000  }
0x6f: {  	[sflag:s12] =	ssyncset.done $0x0  }
0x70: {  	s1 =	simm.s32 $0x680;
	[sflag:s12] =	ssyncadd.s32 $0xFFFFE000  }
0x71: {  	[tilespmem:s21], [sflag:$0x6] =	stream.indirect.gather [hbm4b:s4+s17], $0x40, s1, s17, $0xb8;
	[tilespmem:$0x16400] =	vst v63  }
0x72: {  	_ =	swait.ge [sflag:s26], $0x2000  }
0x73: {  	s15 =	rddreg [dreg:$0x9];
	[sflag:s26] =	ssyncset.done $0x0  }
0x74: {  	[sflag:s26] =	ssyncadd.s32 $0xFFFFE000;
	s2 =	sadd.s32 s19, s15  }
0x75: {  	[hbm4b:s2+s3] =	stream.linear.scatter [tilespmem:s16], [sflag:$0xA], $0x2000, $0x38;
	[tilespmem:$0x16400] =	vst v63  }
0x76: {  	_ =	swait.ge [sflag:s13], $0x2000  }
0x77: {  	[sflag:s13] =	ssyncset.done $0x0  }
0x78: {  	s21 =	simm.s32 $0x700;
	[sflag:s13] =	ssyncadd.s32 $0xFFFFE000  }
0x79: {  	[tilespmem:s23], [sflag:$0x7] =	stream.indirect.gather [hbm4b:s4+s17], $0x40, s21, s17, $0xb8;
	[tilespmem:$0x16400] =	vst v63  }
0x7a: {  	_ =	swait.ge [sflag:s0], $0x2000  }
0x7b: {  	s22 =	rddreg [dreg:$0x8];
	[sflag:s0] =	ssyncset.done $0x0  }
0x7c: {  	[sflag:s0] =	ssyncadd.s32 $0xFFFFE000;
	s2 =	sadd.s32 s19, s22  }
0x7d: {  	[hbm4b:s2+s3] =	stream.linear.scatter [tilespmem:s18], [sflag:$0xB], $0x2000, $0x38;
	[tilespmem:$0x16400] =	vst v63  }
0x7e: {  	_ =	swait.ge [sflag:s14], $0x2000  }
0x7f: {  	[sflag:s14] =	ssyncset.done $0x0  }
0x80: {  	s15 =	sadd.s32 $0x10000, s6;
	s23 =	simm.s32 $0x780;
	[sflag:s14] =	ssyncadd.s32 $0xFFFFE000  }
0x81: {  	[tilespmem:s24], [sflag:$0x8] =	stream.indirect.gather [hbm4b:s4+s17], $0x40, s23, s17, $0xb8;
	[tilespmem:$0x16400] =	vst v63  }
0x82: {  	s6 =	sadd.s32 $0x2000, s19;
	s16 =	simm.s32 $0x1000;
	_ =	swait.ge [sflag:s28], $0x2000  }
0x83: {  	s21 =	simm.s32 $0x6400;
	s26 =	rddreg [dreg:$0x7];
	[sflag:s28] =	ssyncset.done $0x0  }
0x84: {  	s23 =	simm.s32 $0x8400;
	[sflag:s28] =	ssyncadd.s32 $0xFFFFE000;
	s2 =	sadd.s32 s19, s26  }
.LBB2_2:
0x85: {  	s1 =	simm.s32 $0xC400;
	s0 =	simm.s32 $0x9  }
0x86: {  	[hbm4b:s2+s3] =	stream.linear.scatter [tilespmem:s1], [sflag:$0xC], $0x2000, $0x38;
	[tilespmem:$0x16400] =	vst v63  }
0x87: {  	s22 =	smov.u32 s16;
	_ =	swait.ge [sflag:s0], $0x2000  }
0x88: {  	s2 =	sshra.s32 s22, $0x2;
	[sflag:s0] =	ssyncset.done $0x0  }
0x89: {  	s18 =	sadd.s32 $0x400, s2;
	[sflag:s0] =	ssyncadd.s32 $0xFFFFE000  }
0x8a: {  	[tilespmem:s21], [sflag:$0x1] =	stream.indirect.gather [hbm4b:s4+s17], $0x40, s18, s17, $0xb8;
	[tilespmem:$0x16400] =	vst v63  }
0x8b: {  	_ =	swait.ge [sflag:s31], $0x2000  }
0x8c: {  	s24 =	rddreg [dreg:$0x6];
	[sflag:s31] =	ssyncset.done $0x0  }
0x8d: {  	s22 =	simm.s32 $0xE400;
	[sflag:s31] =	ssyncadd.s32 $0xFFFFE000;
	s18 =	sadd.s32 s6, s24  }
0x8e: {  	[hbm4b:s18+s3] =	stream.linear.scatter [tilespmem:s22], [sflag:$0xD], $0x2000, $0x38;
	[tilespmem:$0x16400] =	vst v63  }
0x8f: {  	_ =	swait.ge [sflag:s20], $0x2000  }
0x90: {  	[sflag:s20] =	ssyncset.done $0x0  }
0x91: {  	s26 =	sadd.s32 $0x480, s2;
	[sflag:s20] =	ssyncadd.s32 $0xFFFFE000  }
0x92: {  	[tilespmem:s23], [sflag:$0x2] =	stream.indirect.gather [hbm4b:s4+s17], $0x40, s26, s17, $0xb8;
	[tilespmem:$0x16400] =	vst v63  }
0x93: {  	_ =	swait.ge [sflag:s5], $0x2000  }
0x94: {  	s0 =	rddreg [dreg:$0x5];
	[sflag:s5] =	ssyncset.done $0x0  }
0x95: {  	s26 =	simm.s32 $0x10400;
	[sflag:s5] =	ssyncadd.s32 $0xFFFFE000;
	s18 =	sadd.s32 s6, s0  }
0x96: {  	[hbm4b:s18+s3] =	stream.linear.scatter [tilespmem:s26], [sflag:$0xE], $0x2000, $0x38;
	[tilespmem:$0x16400] =	vst v63  }
0x97: {  	_ =	swait.ge [sflag:s7], $0x2000  }
0x98: {  	[sflag:s7] =	ssyncset.done $0x0  }
0x99: {  	s24 =	sadd.s32 $0x500, s2;
	[sflag:s7] =	ssyncadd.s32 $0xFFFFE000  }
0x9a: {  	[tilespmem:s25], [sflag:$0x3] =	stream.indirect.gather [hbm4b:s4+s17], $0x40, s24, s17, $0xb8;
	[tilespmem:$0x16400] =	vst v63  }
0x9b: {  	_ =	swait.ge [sflag:s8], $0x2000  }
0x9c: {  	s0 =	rddreg [dreg:$0x4];
	[sflag:s8] =	ssyncset.done $0x0  }
0x9d: {  	[sflag:s8] =	ssyncadd.s32 $0xFFFFE000;
	s18 =	sadd.s32 s6, s0;
	s0 =	simm.s32 $0x12400  }
0x9e: {  	[hbm4b:s18+s3] =	stream.linear.scatter [tilespmem:s0], [sflag:$0xF], $0x2000, $0x38;
	[tilespmem:$0x16400] =	vst v63  }
0x9f: {  	_ =	swait.ge [sflag:s9], $0x2000  }
0xa0: {  	[sflag:s9] =	ssyncset.done $0x0  }
0xa1: {  	s24 =	sadd.s32 $0x580, s2;
	[sflag:s9] =	ssyncadd.s32 $0xFFFFE000  }
0xa2: {  	[tilespmem:s1], [sflag:$0x4] =	stream.indirect.gather [hbm4b:s4+s17], $0x40, s24, s17, $0xb8;
	[tilespmem:$0x16400] =	vst v63  }
0xa3: {  	_ =	swait.ge [sflag:s10], $0x2000  }
0xa4: {  	s1 =	rddreg [dreg:$0x3];
	[sflag:s10] =	ssyncset.done $0x0  }
0xa5: {  	s28 =	simm.s32 $0x14400;
	[sflag:s10] =	ssyncadd.s32 $0xFFFFE000;
	s18 =	sadd.s32 s6, s1  }
0xa6: {  	[hbm4b:s18+s3] =	stream.linear.scatter [tilespmem:s28], [sflag:$0x10], $0x2000, $0x38;
	[tilespmem:$0x16400] =	vst v63  }
0xa7: {  	_ =	swait.ge [sflag:s11], $0x2000  }
0xa8: {  	[sflag:s11] =	ssyncset.done $0x0  }
0xa9: {  	s24 =	sadd.s32 $0x600, s2;
	[sflag:s11] =	ssyncadd.s32 $0xFFFFE000  }
0xaa: {  	[tilespmem:s22], [sflag:$0x5] =	stream.indirect.gather [hbm4b:s4+s17], $0x40, s24, s17, $0xb8;
	[tilespmem:$0x16400] =	vst v63  }
0xab: {  	_ =	swait.ge [sflag:s30], $0x2000  }
0xac: {  	s22 =	sshrl.u32 s15, $0x3;
	[sflag:s30] =	ssyncset.done $0x0  }
0xad: {  	s18 =	sadd.s32 s19, s22;
	[sflag:s30] =	ssyncadd.s32 $0xFFFFE000  }
0xae: {  	[hbm4b:s18+s3] =	stream.linear.scatter [tilespmem:s21], [sflag:$0x9], $0x2000, $0x38;
	[tilespmem:$0x16400] =	vst v63  }
0xaf: {  	_ =	swait.ge [sflag:s12], $0x2000  }
0xb0: {  	[sflag:s12] =	ssyncset.done $0x0  }
0xb1: {  	s24 =	sadd.s32 $0x680, s2;
	[sflag:s12] =	ssyncadd.s32 $0xFFFFE000  }
0xb2: {  	[tilespmem:s26], [sflag:$0x6] =	stream.indirect.gather [hbm4b:s4+s17], $0x40, s24, s17, $0xb8;
	[tilespmem:$0x16400] =	vst v63  }
0xb3: {  	s26 =	simm.s32 $0x2  }
0xb4: {  	_ =	swait.ge [sflag:s26], $0x2000  }
0xb5: {  	s24 =	rddreg [dreg:$0x9];
	[sflag:s26] =	ssyncset.done $0x0  }
0xb6: {  	[sflag:s26] =	ssyncadd.s32 $0xFFFFE000;
	s18 =	sadd.s32 s6, s24  }
0xb7: {  	[hbm4b:s18+s3] =	stream.linear.scatter [tilespmem:s23], [sflag:$0xA], $0x2000, $0x38;
	[tilespmem:$0x16400] =	vst v63  }
0xb8: {  	_ =	swait.ge [sflag:s13], $0x2000  }
0xb9: {  	[sflag:s13] =	ssyncset.done $0x0  }
0xba: {  	s18 =	sadd.s32 $0x700, s2;
	[sflag:s13] =	ssyncadd.s32 $0xFFFFE000  }
0xbb: {  	[tilespmem:s0], [sflag:$0x7] =	stream.indirect.gather [hbm4b:s4+s17], $0x40, s18, s17, $0xb8;
	[tilespmem:$0x16400] =	vst v63  }
0xbc: {  	s0 =	simm.s32 $0x3  }
0xbd: {  	_ =	swait.ge [sflag:s0], $0x2000  }
0xbe: {  	s18 =	rddreg [dreg:$0x8];
	[sflag:s0] =	ssyncset.done $0x0  }
0xbf: {  	[sflag:s0] =	ssyncadd.s32 $0xFFFFE000;
	s18 =	sadd.s32 s6, s18  }
0xc0: {  	[hbm4b:s18+s3] =	stream.linear.scatter [tilespmem:s25], [sflag:$0xB], $0x2000, $0x38;
	[tilespmem:$0x16400] =	vst v63  }
0xc1: {  	_ =	swait.ge [sflag:s14], $0x2000  }
0xc2: {  	[sflag:s14] =	ssyncset.done $0x0  }
0xc3: {  	p0 =	sne.s32 s16, $0x17000;
	s2 =	sadd.s32 $0x780, s2;
	[sflag:s14] =	ssyncadd.s32 $0xFFFFE000  }
0xc4: {  	[tilespmem:s28], [sflag:$0x8] =	stream.indirect.gather [hbm4b:s4+s17], $0x40, s2, s17, $0xb8;
	[tilespmem:$0x16400] =	vst v63  }
.Ltmp0:
0xc5: {  	s16 =	sadd.s32 $0x1000, s16;
	(pc) =	sbr.rel @p0 .LBB2_2-.Ltmp0, $4  }
0xc6: {  	s1 =	simm.s32 $0xE400;
	s15 =	sadd.s32 $0x10000, s15;
	s28 =	simm.s32 $0x4  }
0xc7: {  	s22 =	simm.s32 $0x10400;
	s24 =	simm.s32 $0x12400;
	_ =	swait.ge [sflag:s28], $0x2000  }
0xc8: {  	s18 =	simm.s32 $0x14400;
	[sflag:s28] =	ssyncset.done $0x0;
	s2 =	rddreg [dreg:$0x7]  }
0xc9: {  	[sflag:s28] =	ssyncadd.s32 $0xFFFFE000;
	s2 =	sadd.s32 s6, s2;
	s6 =	sadd.s32 $0x2000, s6  }
0xca: {  	[hbm4b:s2+s3] =	stream.linear.scatter [tilespmem:s29], [sflag:$0xC], $0x2000, $0x38;
	[tilespmem:$0x16400] =	vst v63  }
0xcb: {  	_ =	swait.ge [sflag:s31], $0x2000  }
0xcc: {  	[sflag:s31] =	ssyncset.done $0x0  }
0xcd: {  	s6 =	rddreg [dreg:$0xf];
	[sflag:s31] =	ssyncadd.s32 $0xFFFFE000  }
0xce: {  	[hbm4b:s6+s3] =	stream.linear.scatter [tilespmem:s1], [sflag:$0xD], $0x2000, $0x38;
	[tilespmem:$0x16400] =	vst v63  }
0xcf: {  	_ =	swait.ge [sflag:s5], $0x2000  }
0xd0: {  	[sflag:s5] =	ssyncset.done $0x0  }
0xd1: {  	s15 =	rddreg [dreg:$0x10];
	[sflag:s5] =	ssyncadd.s32 $0xFFFFE000  }
0xd2: {  	[hbm4b:s15+s3] =	stream.linear.scatter [tilespmem:s22], [sflag:$0xE], $0x2000, $0x38;
	[tilespmem:$0x16400] =	vst v63  }
0xd3: {  	_ =	swait.ge [sflag:s8], $0x2000  }
0xd4: {  	[sflag:s8] =	ssyncset.done $0x0  }
0xd5: {  	s16 =	rddreg [dreg:$0x11];
	[sflag:s8] =	ssyncadd.s32 $0xFFFFE000  }
0xd6: {  	[hbm4b:s16+s3] =	stream.linear.scatter [tilespmem:s24], [sflag:$0xF], $0x2000, $0x38;
	[tilespmem:$0x16400] =	vst v63  }
0xd7: {  	_ =	swait.ge [sflag:s10], $0x2000  }
0xd8: {  	[sflag:s10] =	ssyncset.done $0x0  }
0xd9: {  	s22 =	simm.s32 $0x9;
	s21 =	rddreg [dreg:$0x12];
	[sflag:s10] =	ssyncadd.s32 $0xFFFFE000  }
0xda: {  	[hbm4b:s21+s3] =	stream.linear.scatter [tilespmem:s18], [sflag:$0x10], $0x2000, $0x38;
	[tilespmem:$0x16400] =	vst v63  }
0xdb: {  	_ =	swait.ge [sflag:s22], $0x2000  }
0xdc: {  	[sflag:s22] =	ssyncset.done $0x0  }
0xdd: {  	[sflag:s22] =	ssyncadd.s32 $0xFFFFE000  }
0xde: {  	_ =	swait.ge [sflag:s20], $0x2000  }
0xdf: {  	[sflag:s20] =	ssyncset.done $0x0  }
0xe0: {  	[sflag:s20] =	ssyncadd.s32 $0xFFFFE000  }
0xe1: {  	_ =	swait.ge [sflag:s7], $0x2000  }
0xe2: {  	[sflag:s7] =	ssyncset.done $0x0  }
0xe3: {  	[sflag:s7] =	ssyncadd.s32 $0xFFFFE000  }
0xe4: {  	_ =	swait.ge [sflag:s9], $0x2000  }
0xe5: {  	[sflag:s9] =	ssyncset.done $0x0  }
0xe6: {  	[sflag:s9] =	ssyncadd.s32 $0xFFFFE000  }
0xe7: {  	_ =	swait.ge [sflag:s11], $0x2000  }
0xe8: {  	[sflag:s11] =	ssyncset.done $0x0  }
0xe9: {  	[sflag:s11] =	ssyncadd.s32 $0xFFFFE000  }
0xea: {  	_ =	swait.ge [sflag:s12], $0x2000  }
0xeb: {  	[sflag:s12] =	ssyncset.done $0x0  }
0xec: {  	[sflag:s12] =	ssyncadd.s32 $0xFFFFE000  }
0xed: {  	_ =	swait.ge [sflag:s13], $0x2000  }
0xee: {  	[sflag:s13] =	ssyncset.done $0x0  }
0xef: {  	[sflag:s13] =	ssyncadd.s32 $0xFFFFE000  }
0xf0: {  	_ =	swait.ge [sflag:s14], $0x2000  }
0xf1: {  	s23 =	rddreg [dreg:$0x15]  }
0xf2: {  	s24 =	rddreg [dreg:$0x13];
	s1 =	sadd.s32 $0x1, s23  }
0xf3: {  	p0 =	sne.s32 s1, s24  }
.Ltmp1:
0xf4: {  	_ = 	snop;
	(pc) =	sbr.rel @p0 .LBB2_1-.Ltmp1, $3  }
0xf5: {  	_ =	sdelay $0x1  }
0xf6: {  	s15 =	simm.s32 $0x6400;
	s16 =	simm.s32 $0x8400;
	[sflag:s14] =	ssyncset.done $0x0  }
0xf7: {  	s18 =	simm.s32 $0xA400;
	s22 =	simm.s32 $0x1;
	[sflag:s14] =	ssyncadd.s32 $0xFFFFE000  }
0xf8: {  	_ =	sfence.sel $0x180000  }
0xf9: {  	[bflag:$0x0] =	sbarrier.arrive $0xFFFF  }
0xfa: {  	_ =	strace $0x90000047  }
0xfb: {  	s0 =	stileid.u32;
	[bflag:$0x2] =	sbarrier.arrive $0xFFFF  }
0xfc: {  	p0 =	sne.s32 s0, $0x0;
	s0 =	rddreg [dreg:$0x2]  }
0xfd: {  	s0 =	sadd.s32 @!p0 $0x100000, s0  }
0xfe: {  	[sflag:s0] =	ssyncadd.tile.s32 @!p0 $0x1;
	_ =	shalt  }
.Lfunc_end2:
_tile_overlayer_lowered:
.L_overlay_start_2:
0xff: {  	(tag) =	ssettag $0x2  }
0x100: {  	s0 =	rddreg [dreg:$0x0];
	s2 =	stileid.u32  }
0x101: {  	s1 =	rddreg [dreg:$0x1];
	p0 =	sne.s32 s2, $0x0  }
0x102: {  	s3 =	rddreg [dreg:$0x2];
	[bflag:$0x3] =	sbarrier.arrive $0xFFFF;
	s2 =	simm.s32 @!p0 $0x1C11  }
0x103: {  	[timem:s3], [sflag:s2] =	dma.local @!p0 [hbm:s0], s1  }
0x104: {  	s0 =	simm.s32 @!p0 $0x11  }
0x105: {  	_ =	swait.ge @!p0 [sflag:s0], s1  }
0x106: {  	s1 =	ssub.s32 @!p0 $0x0, s1;
	[sflag:s0] =	ssyncset.done @!p0 $0x0  }
0x107: {  	[sflag:s0] =	ssyncadd.s32 @!p0 s1  }
0x108: {  	[bflag:$0x3] =	sbarrier.arrive $0xFFFF  }
0x109: {  	_ =	shalt  }

// kernel: sparse-core-data-format-call.cloned.1.call-start
scs
called_computation_lowered:
.L_overlay_start_0:
0x0: {  	s2 =	sld [smem:$0x3FD9]  }
0x1: {  	s3 =	sld [smem:$0x3FFE];
	_ =	sdelay $0x1  }
0x2: {  	s1 =	srdreg.scid  }
0x3: {  	s0 =	sand.u32 $0x1, s1  }
0x4: {  	s18 =	sshll.u32 s0, $0xA;
	s2 =	sadd.s32 s3, s2  }
0x5: {  	s2 =	sadd.s32 s2, s18  }
0x6: {  	[smem:$0x3FC6] =	sst s2  }
0x7: {  	_ = 	snop  }
0x8: {  	s2 =	sld [smem:$0x3FD0];
	(tm) =	ssettm $0x1  }
0x9: {  	s19 =	sld [smem:$0x3FFB];
	_ =	sdelay $0x3  }
0xa: {  	_ =	strace s19  }
0xb: {  	s3 =	sld [smem:$0x3FFC];
	_ =	sdelay $0x3  }
0xc: {  	_ =	strace s3  }
0xd: {  	s3 =	sld [smem:$0x3FFD];
	_ =	sdelay $0x3  }
0xe: {  	_ =	strace s3  }
0xf: {  	_ =	strace $0x8FFFFFFF  }
0x10: {  	s20 =	sld [smem:$0x3FDB];
	_ =	sdelay $0x1  }
0x11: {  	s4 =	simm.s32 $_scs_section_size  }
0x12: {  	s5 =	simm.s32 $_size__tile_overlayer_lowered;
	s6 =	simm.s32 $_tile_overlayer_lowered  }
0x13: {  	s23 =	simm.s32 $0x1BFF;
	s22 =	sshll.u32 s6, $0x1;
	s3 =	sadd.s32 s4, s20  }
0x14: {  	s7 =	simm.s32 $0x0;
	s21 =	sshll.u32 s5, $0x1;
	s5 =	sadd.s32 s22, s3  }
0x15: {  	[timem:s7], [sflag:s23] =	dma.local [hbm:s5], s21  }
0x16: {  	_ =	swait.ge [sflag:s23], s21  }
0x17: {  	s4 =	ssub.s32 $0x0, s21;
	[sflag:s23] =	ssyncset.done $0x0  }
0x18: {  	[sflag:s23] =	ssyncadd.s32 s4;
	_ =	sdelay $0x1  }
0x19: {  	s24 =	simm.s32 $0x1B8B  }
0x1a: {  	_ =	swait.ge [sflag:s24], $0x1  }
0x1b: {  	[sflag:s24] =	ssyncset.done $0x0  }
0x1c: {  	s26 =	simm.s32 $0x1B8E;
	s25 =	sld [smem:$0x3FFE];
	[sflag:s24] =	ssyncadd.s32 $0xFFFFFFFF  }
0x1d: {  	s27 =	simm.s32 $execute0_lowered;
	[smem:$0x3FD2] =	sst s26  }
0x1e: {  	s5 =	sshll.u32 s27, $0x1;
	_ =	strace $0x80000049;
	[dreg:$0x1] =	wrdreg $0xFFFFFFFF  }
0x1f: {  	s28 =	simm.s32 $_size_execute0_lowered;
	s3 =	sadd.s32 s3, s5;
	[dreg:$0x0] =	wrdreg $0x0  }
0x20: {  	s5 =	sshll.u32 s28, $0x1;
	[dreg:$0x2] =	wrdreg s3  }
0x21: {  	[dreg:$0x3] =	wrdreg s5  }
0x22: {  	[dreg:$0x4] =	wrdreg $0xC0  }
0x23: {  	_ =	task [dreg:s7], $0x5FFFF  }
0x24: {  	[dreg:$0x1] =	wrdreg $0xFFFFFFFF  }
0x25: {  	[dreg:$0x0] =	wrdreg $0x60  }
0x26: {  	[dreg:$0x2] =	wrdreg s25  }
0x27: {  	[dreg:$0x3] =	wrdreg s2  }
0x28: {  	[dreg:$0x4] =	wrdreg $0x9  }
0x29: {  	_ =	task.clear_ibuf [dreg:s7], $0x5FFFF;
	_ =	strace $0x90000049  }
0x2a: {  	s29 =	simm.s32 $0x9;
	_ =	strace $0x8000004B  }
0x2b: {  	_ =	swait.ge [sflag:s29], $0x1  }
0x2c: {  	[sflag:s29] =	ssyncadd.s32 $0xFFFFFFFF  }
0x2d: {  	_ =	strace $0x9000004B  }
0x2e: {  	_ =	sfence  }
0x2f: {  	s30 =	sld [smem:$0x0];
	_ =	sdelay $0x2  }
0x30: {  	s31 =	sshll.u32 s1, $0xD;
	s1 =	sshrl.u32 s1, $0x2  }
0x31: {  	s3 =	sand.u32 $0x4000, s31;
	s1 =	sadd.s32 s1, s30  }
0x32: {  	s0 =	sor.u32 s3, s0;
	s1 =	sshll.u32 s1, $0x11  }
0x33: {  	s0 =	sor.u32 s1, s0  }
0x34: {  	s0 =	sadd.s32 $0x8F2B, s0  }
0x35: {  	[sflag:s0] =	ssyncadd.remote.s32 $0x1  }
0x36: {  	_ =	sfence.sel $0xFFFF  }
0x37: {  	[dreg:$0x0] =	wrdreg $0xFFFFFFFF;
	(pc) =	sbr.abs _section_cstart, $3  }
0x38: {  	[dreg:$0x1] =	wrdreg $0xFFFFFFFF  }
0x39: {  	_ =	task.clear_ibuf [dreg:s7], $0x2FFFF;
	_ =	strace $0x9FFFFFFF  }
0x3a: {  	(tm) =	ssettm $0x7FFFFFFF  }
0x3b: {  	_ =	shalt  }
tec
execute0_lowered:
.L_overlay_start_1:
0x0: {  	(tag) =	ssettag $0x1  }
0x1: {  	s0 =	srdreg.scid  }
0x2: {  	s1 =	sshll.u32 s0, $0x4  }
0x3: {  	s0 =	stileid.u32;
	s1 =	sand.u32 $0x10, s1  }
0x4: {  	s1 =	sor.u32 s0, s1  }
0x5: {  	s6 =	rddreg [dreg:$0x0];
	s4 =	simm.s32 $0x1;
	s2 =	sshll.u32 s1, $0x7  }
0x6: {  	s7 =	simm.s32 $0x2;
	s12 =	simm.s32 $0x0;
	s1 =	ssub.s32 $0x4000, s2  }
0x7: {  	s8 =	simm.s32 $0x20000;
	s13 =	simm.s32 $0x0;
	s3 =	sand.u32 $0xF80, s1  }
0x8: {  	s9 =	simm.s32 $0x0;
	s5 =	sshrl.u32 s1, $0xC;
	p0 =	sne.s32 s3, $0x0  }
.Ltmp0:
0x9: {  	s1 =	rddreg [dreg:$0x2];
	s4 =	simm.s32 @!p0 $0x0;
	(pc) =	sbr.rel .LBB1_1-.Ltmp0, $4  }
0xa: {  	s11 =	simm.s32 $0x0;
	s3 =	rddreg [dreg:$0x1];
	s5 =	sadd.s32 s4, s5  }
0xb: {  	_ =	strace $0x8000004A;
	s4 =	simm.s32 $0x1;
	s5 =	smul.u32 $0x32, s5  }
0xc: {  	s6 =	sadd.s32 $0xA00, s6;
	s10 =	smov.u32 s2;
	[sflag:s4] =	ssyncpa.u1 $0x0  }
0xd: {  	p0 =	por $0x0, $0x0;
	[sflag:s7] =	ssyncpa.u1 $0x0;
	s7 =	sor.u32 $0x1, s5  }
.LBB1_4:
0xe: {  	s16 =	sshll.u32 s13, $0x3;
	s17 =	sand.u32 $0x78, s13  }
0xf: {  	s30 =	sand.u32 $0x1F800, s13;
	s12 =	sshll.u32 s12, $0x11;
	s16 =	sand.u32 $0x3C00, s16  }
0x10: {  	[tilespmem:s15+$0x810 ss:$0x81] =	vst.msk $0xffff, v2;
	s31 =	sand.u32 $0x7, s13;
	s16 =	sor.u32 s17, s16;
	s17 =	sadd.s32 s3, s30  }
0x11: {  	[tilespmem:s15+$0x1020 ss:$0x81] =	vst.msk $0xffff, v0;
	s13 =	sshll.u32 s31, $0x12;
	s12 =	sadd.s32 s12, s17;
	s16 =	sshrl.u32 s16, $0x3  }
0x12: {  	[tilespmem:s15+$0x0 ss:$0x81] =	vst.msk $0xffff, v1;
	s13 =	sor.u32 $0x400, s13;
	s12 =	sadd.s32 s16, s12  }
0x13: {  	[hbm4b:s12+s13] =	stream.strided.scatter [tilespmem:s14], [sflag:$0x2], $0x2000, s8, s13, $0x20;
	[tilespmem:$0x8080] =	vst v63  }
.LBB1_5:
0x14: {  	s14 =	sadd.s32 $0x1, s9  }
0x15: {  	s12 =	sadd.s32 $0x1000, s10;
	s16 =	smov.u32 s10;
	p2 =	sgt.s32 s14, $0x31  }
0x16: {  	s16 =	smov.u32 @p2 s12  }
0x17: {  	s14 =	simm.s32 @p2 $0x0;
	p2 =	sgt.s32 s16, $0x3FFF  }
0x18: {  	s16 =	smov.u32 @p2 s2;
	p2 =	sne.s32 s11, s7  }
.Ltmp1:
0x19: {  	p1 =	slt.u32 s11, $0x2;
	(pc) =	sbr.rel @!p2 .LBB1_6-.Ltmp1, $4  }
0x1a: {  	s15 =	simm.s32 @!p1 $0x2  }
0x1b: {  	s13 =	smov.u32 s10;
	p0 =	por !p0, !p0;
	_ =	swait.ge @!p1 [sflag:s15], $0x2000  }
0x1c: {  	s12 =	smov.u32 s9;
	[sflag:s15] =	ssyncset.done @!p1 $0x0;
	s9 =	smov.u32 s14  }
0x1d: {  	s11 =	sadd.s32 $0x1, s11;
	[sflag:s15] =	ssyncadd.s32 @!p1 $0xFFFFE000;
	s10 =	smov.u32 s16  }
.LBB1_1:
0x1e: {  	p1 =	sge.u32 s11, s5  }
0x1f: {  	s14 =	sand.u32 @!p1 $0x1FFFFFF, s9  }
0x20: {  	s15 =	smulhi.u32 @!p1 $0x4924925, s14;
	_ =	sdelay $0x1  }
0x21: {  	s15 =	smul.u32 @!p1 $0x38, s15  }
0x22: {  	s16 =	sxor.u32 @!p1 $0xFFFFFFFF, s11;
	s17 =	smul.u32 @!p1 $0x380, s10  }
0x23: {  	s31 =	sadd.s32 $0xFFFFFFFF, s11;
	s16 =	sshll.u32 @!p1 s16, $0xD;
	s14 =	ssub.s32 @!p1 s14, s15  }
0x24: {  	s15 =	sand.u32 @!p1 $0x2000, s16;
	s16 =	sadd.s32 @!p1 s6, s17;
	s14 =	sshll.u32 @!p1 s14, $0x4  }
0x25: {  	s17 =	simm.s32 @!p1 $0x1C00;
	s14 =	sadd.s32 @!p1 s14, s16;
	s16 =	simm.s32 @!p1 $0x40  }
0x26: {  	[tilespmem:s15], [sflag:$0x1] =	stream.strided.gather @!p1 [hbm4b:s14+s16], $0x2000, s17, s16, $0x38;
	[tilespmem:$0x8080] =	vst v63  }
0x27: {  	p1 =	sge.u32 s31, s5  }
.Ltmp2:
0x28: {  	_ = 	snop;
	(pc) =	sbr.rel @p1 .LBB1_5-.Ltmp2, $1  }
0x29: {  	_ =	sdelay $0x3  }
0x2a: {  	s14 =	simm.s32 $0x1  }
0x2b: {  	_ =	swait.ge [sflag:s4], $0x2000;
	s14 =	simm.s32 @!p0 $0x0  }
0x2c: {  	[sflag:s4] =	ssyncset.done $0x0;
	s15 =	sshll.u32 s14, $0xD  }
0x2d: {  	[sflag:s4] =	ssyncadd.s32 $0xFFFFE000;
	s18 =	sor.u32 $0x20, s15  }
0x2e: {  	s14 =	smul.u32 $0x8100, s14;
	v3 =	vld [tilespmem:s18+$0x10]  }
0x2f: {  	s30 =	sand.u32 $0x1, s11;
	v2 =	vld [tilespmem:s18+$0xFFFFFFF0]  }
0x30: {  	s15 =	smul.u32 $0x8100, s30;
	s14 =	sshrl.u32 s14, $0x2;
	v0 =	vld [tilespmem:s18+$0x0]  }
0x31: {  	v1 =	vld [tilespmem:s18+$0xFFFFFFE0];
	s16 =	sor.u32 $0x4000, s14  }
0x32: {  	s31 =	sshrl.u32 s15, $0x2;
	s15 =	sadd.s32 $0x0, s16  }
0x33: {  	s17 =	simm.s32 $0x4;
	s18 =	sadd.s32 $0x40, s18;
	s14 =	sor.u32 $0x4000, s31;
	[tilespmem:s15+$0x1830 ss:$0x81] =	vst.msk $0xffff, v3  }
.LBB1_3:
0x34: {  	v3 =	vld [tilespmem:s18+$0x10];
	p1 =	sne.s32 s17, $0x1FC;
	[tilespmem:s15+$0x810 ss:$0x81] =	vst.msk $0xffff, v2;
	s19 =	smov.u32 s17;
	s17 =	sadd.s32 $0x4, s17  }
.Ltmp3:
0x35: {  	v2 =	vld [tilespmem:s18+$0xFFFFFFF0];
	[tilespmem:s15+$0x1020 ss:$0x81] =	vst.msk $0xffff, v0;
	(pc) =	sbr.rel @p1 .LBB1_3-.Ltmp3, $4  }
0x36: {  	v0 =	vld [tilespmem:s18+$0x0];
	[tilespmem:s15+$0x0 ss:$0x81] =	vst.msk $0xffff, v1  }
0x37: {  	s15 =	sshra.s32 s19, $0x2;
	v1 =	vld [tilespmem:s18+$0xFFFFFFE0]  }
0x38: {  	s15 =	sadd.s32 s15, s16  }
0x39: {  	s18 =	sadd.s32 $0x40, s18;
	[tilespmem:s15+$0x1830 ss:$0x81] =	vst.msk $0xffff, v3  }
.Ltmp4:
0x3a: {  	_ = 	snop;
	(pc) =	sbr.rel .LBB1_4-.Ltmp4, $1  }
0x3b: {  	_ =	sdelay $0x3  }
.LBB1_6:
0x3c: {  	_ =	sfence.sel $0x180000  }
0x3d: {  	s2 =	simm.s32 $0x1;
	[bflag:$0x0] =	sbarrier.arrive $0xFFFF  }
0x3e: {  	s31 =	simm.s32 $0x2;
	[sflag:s2] =	ssyncpa.u1 $0x1  }
0x3f: {  	[sflag:s31] =	ssyncpa.u1 $0x1  }
0x40: {  	p0 =	sne.s32 s0, $0x0;
	_ =	strace $0x9000004A  }
0x41: {  	s0 =	sadd.s32 @!p0 $0x100000, s1;
	[bflag:$0x2] =	sbarrier.arrive $0xFFFF  }
0x42: {  	[sflag:s0] =	ssyncadd.tile.s32 @!p0 $0x1;
	_ =	shalt  }
.Lfunc_end1:
_tile_overlayer_lowered:
.L_overlay_start_2:
0x43: {  	(tag) =	ssettag $0x2  }
0x44: {  	s0 =	rddreg [dreg:$0x0];
	s2 =	stileid.u32  }
0x45: {  	s1 =	rddreg [dreg:$0x1];
	p0 =	sne.s32 s2, $0x0  }
0x46: {  	s3 =	rddreg [dreg:$0x2];
	[bflag:$0x3] =	sbarrier.arrive $0xFFFF;
	s2 =	simm.s32 @!p0 $0x1C01  }
0x47: {  	[timem:s3], [sflag:s2] =	dma.local @!p0 [hbm:s0], s1  }
0x48: {  	s0 =	simm.s32 @!p0 $0x1  }
0x49: {  	_ =	swait.ge @!p0 [sflag:s0], s1  }
0x4a: {  	s1 =	ssub.s32 @!p0 $0x0, s1;
	[sflag:s0] =	ssyncset.done @!p0 $0x0  }
0x4b: {  	[sflag:s0] =	ssyncadd.s32 @!p0 s1  }
0x4c: {  	[bflag:$0x3] =	sbarrier.arrive $0xFFFF  }
0x4d: {  	_ =	shalt  }

</sc_bundles>
